<compile_context>
chip_gen: v7x
topology: tpu7x:2x2x1
jax: 0.10.2.dev20260603
libtpu: 0.0.44.dev20260713+nightly
codegen_flags: <defaults>
</compile_context>

<pallas_src>
import functools

import jax
import jax.numpy as jnp
import numpy as np
from jax import lax
from jax.experimental import pallas as pl
from jax.experimental.pallas import tpu as pltpu
from jax.experimental.pallas import tpu_sc as plsc

N = 10000
E = 160000
IN_NEIGH = 32
IN_SELF = 32
OUT = 16
EDGE_DIM = 16
EDGE_HID = 64
BN_EPS = 1e-5

NW = 32
EPW = E // NW
CH = 125
JC = EPW // CH
CPB = 8
NBLK = JC // CPB
NPS = 624

def _gather_body(table_hbm, idx_hbm, out_hbm, idx_v, rows_v, sem):
    cid = lax.axis_index("c")
    sid = lax.axis_index("s")
    wid = sid * 2 + cid
    pltpu.sync_copy(idx_hbm.at[pl.ds(wid * JC, JC)], idx_v)

    def block(b, carry):
        copies = [
            pltpu.async_copy(table_hbm.at[idx_v.at[b * CPB + j]],
                             rows_v.at[pl.ds(j * CH, CH)], sem)
            for j in range(CPB)
        ]
        for c in copies:
            c.wait()
        pltpu.sync_copy(rows_v,
                        out_hbm.at[pl.ds(wid * EPW + b * CPB * CH, CPB * CH)])
        return carry

    lax.fori_loop(0, NBLK, block, 0)


@functools.lru_cache(maxsize=None)
def _sc_gather():
    return pl.kernel(
        _gather_body,
        out_type=jax.ShapeDtypeStruct((E, IN_NEIGH), jnp.float32),
        mesh=plsc.VectorSubcoreMesh(core_axis_name="c", subcore_axis_name="s"),
        scratch_types=[
            pltpu.VMEM((JC, CH), jnp.int32),
            pltpu.VMEM((CPB * CH, IN_NEIGH), jnp.float32),
            pltpu.SemaphoreType.DMA,
        ],
        compiler_params=pltpu.CompilerParams(use_tc_tiling_on_sc=False),
    )


def _scatter_body(msg_hbm, dst_hbm, out_hbm, acc_sh, idx_v, msg_v, zero_v):
    cid = lax.axis_index("c")
    sid = lax.axis_index("s")
    wid = sid * 2 + cid

    def zrow(i, carry):
        zero_v[i, :] = jnp.zeros((16,), jnp.float32)
        return carry

    lax.fori_loop(0, NPS + 16, zrow, 0)
    pltpu.sync_copy(zero_v.at[pl.ds(0, NPS)], acc_sh.at[pl.ds(sid * NPS, NPS)])

    @pl.when(sid == 15)
    def _zero_tail():
        pltpu.sync_copy(zero_v.at[pl.ds(0, N - 16 * NPS)],
                        acc_sh.at[pl.ds(16 * NPS, N - 16 * NPS)])

    pltpu.sync_copy(dst_hbm.at[pl.ds(wid * JC, JC)], idx_v)
    pltpu.sync_copy(msg_hbm.at[pl.ds(wid * EPW, EPW)], msg_v)
    plsc.subcore_barrier()

    def chunk(j, carry):
        pltpu.sync_copy(msg_v.at[pl.ds(j * CH, CH)], acc_sh.at[idx_v.at[j]],
                        add=True)
        return carry

    lax.fori_loop(0, JC, chunk, 0)
    plsc.subcore_barrier()
    pltpu.sync_copy(acc_sh.at[pl.ds(sid * NPS, NPS)],
                    out_hbm.at[cid].at[pl.ds(sid * NPS, NPS)])

    @pl.when(sid == 15)
    def _out_tail():
        pltpu.sync_copy(acc_sh.at[pl.ds(16 * NPS, N - 16 * NPS)],
                        out_hbm.at[cid].at[pl.ds(16 * NPS, N - 16 * NPS)])


@functools.lru_cache(maxsize=None)
def _sc_scatter():
    return pl.kernel(
        _scatter_body,
        out_type=jax.ShapeDtypeStruct((2, N, OUT), jnp.float32),
        mesh=plsc.VectorSubcoreMesh(core_axis_name="c", subcore_axis_name="s"),
        scratch_types=[
            pltpu.VMEM_SHARED((N, OUT), jnp.float32),
            pltpu.VMEM((JC, CH), jnp.int32),
            pltpu.VMEM((EPW, OUT), jnp.float32),
            pltpu.VMEM((NPS + 16, OUT), jnp.float32),
        ],
        compiler_params=pltpu.CompilerParams(use_tc_tiling_on_sc=False),
    )


BE = 6400


def _edge_body(ef_ref, h4_ref, we1_ref, be1_ref, we2_ref, be2_ref,
               repq_ref, selp_ref, out_ref):
    hmid = lax.dot_general(ef_ref[...], we1_ref[...],
                           (((0,), (0,)), ((), ())),
                           preferred_element_type=jnp.float32) + be1_ref[...]
    hmid = jnp.maximum(hmid, 0.0)
    ew = jnp.dot(hmid, we2_ref[...],
                 preferred_element_type=jnp.float32) + be2_ref[...]
    h4 = h4_ref[...]
    q4 = BE // 4
    q8 = BE // 8
    acc = None
    for q in range(4):
        hexp_q = jnp.dot(h4, repq_ref[q], preferred_element_type=jnp.float32)
        prod_q = hexp_q * ew[q * q4:(q + 1) * q4]
        s_q = (prod_q[:, 0:128] + prod_q[:, 128:256]
               + prod_q[:, 256:384] + prod_q[:, 384:512])
        for h in range(2):
            j = 2 * q + h
            part = jnp.dot(s_q[h * q8:(h + 1) * q8], selp_ref[j],
                           preferred_element_type=jnp.float32)
            acc = part if acc is None else acc + part
    out_ref[...] = acc


def _tc_edge(ef, h_src4, We1, be1, We2, be2, repq, selp):
    grid = (E // BE,)
    return pl.pallas_call(
        _edge_body,
        grid=grid,
        in_specs=[
            pl.BlockSpec((EDGE_DIM, BE), lambda i: (0, i)),
            pl.BlockSpec((BE // 4, 128), lambda i: (i, 0)),
            pl.BlockSpec((EDGE_DIM, EDGE_HID), lambda i: (0, 0)),
            pl.BlockSpec((1, EDGE_HID), lambda i: (0, 0)),
            pl.BlockSpec((EDGE_HID, IN_NEIGH * OUT), lambda i: (0, 0)),
            pl.BlockSpec((1, IN_NEIGH * OUT), lambda i: (0, 0)),
            pl.BlockSpec((4, 128, IN_NEIGH * OUT), lambda i: (0, 0, 0)),
            pl.BlockSpec((8, 128, 128), lambda i: (0, 0, 0)),
        ],
        out_specs=pl.BlockSpec((BE // 8, 128), lambda i: (i, 0)),
        out_shape=jax.ShapeDtypeStruct((E // 8, 128), jnp.float32),
        compiler_params=pltpu.CompilerParams(
            dimension_semantics=("arbitrary",)),
    )(ef, h_src4, We1, be1, We2, be2, repq, selp)


def _final_body(hs_ref, ws_ref, g_ref, b_ref, p_ref, out_ref):
    s = jnp.dot(hs_ref[...], ws_ref[...], preferred_element_type=jnp.float32)
    mean = jnp.mean(s, axis=0, keepdims=True)
    var = jnp.mean((s - mean) ** 2, axis=0, keepdims=True)
    sn = (s - mean) * lax.rsqrt(var + BN_EPS) * g_ref[...] + b_ref[...]
    t = jnp.tanh(sn)
    hn = p_ref[0] + p_ref[1]
    z = jnp.maximum(t + hn, 0.0)
    nrm = jnp.sqrt(jnp.sum(z * z, axis=1, keepdims=True))
    nrm = jnp.where(nrm == 0.0, 1.0, nrm)
    out_ref[...] = z / nrm


def _tc_final(h_self, W_self, bn_gamma, bn_beta, partial):
    return pl.pallas_call(
        _final_body,
        out_shape=jax.ShapeDtypeStruct((N, OUT), jnp.float32),
    )(h_self, W_self, bn_gamma.reshape(1, OUT), bn_beta.reshape(1, OUT),
      partial)


_REPQ = np.zeros((4, 128, IN_NEIGH * OUT), np.float32)
for _q in range(4):
    for _i in range(IN_NEIGH):
        _REPQ[_q, _q * IN_NEIGH + _i, _i * OUT:(_i + 1) * OUT] = 1.0
_SELP = np.zeros((8, 128, 128), np.float32)
for _j in range(8):
    for _c in range(128):
        _SELP[_j, _c, _j * OUT + (_c % OUT)] = 1.0


_SRCPERM = (np.arange(E, dtype=np.int32).reshape(E // BE, 4, BE // 4)
            .transpose(0, 2, 1).reshape(E // CH, CH))


def kernel(h_neigh, h_self, edge_features, edge_index, W_self, bn_gamma,
           bn_beta, We1, be1, We2, be2):
    nb = E // BE
    src2d = jnp.take(edge_index[0], jnp.asarray(_SRCPERM), axis=0)
    dst2d = (edge_index[1].reshape(nb, 8, BE // 8).transpose(0, 2, 1)
             .reshape(E // CH, CH))
    h_src = _sc_gather()(h_neigh, src2d)
    msg = _tc_edge(edge_features.T, h_src.reshape(E // 4, 128),
                   We1, be1.reshape(1, EDGE_HID),
                   We2, be2.reshape(1, IN_NEIGH * OUT),
                   jnp.asarray(_REPQ), jnp.asarray(_SELP))
    partial = _sc_scatter()(msg.reshape(E, OUT), dst2d)
    return _tc_final(h_self, W_self, bn_gamma, bn_beta, partial)

# --- scband reference (transcript-rebuilt; emitter-appended) ---
"""Pipeline reference for scband-conv-layer-82798379532900 (READ-ONLY COPY).

The authoritative reference and input builder live on the scoring server;
editing this copy changes nothing except your own understanding.
"""

import jax, jax.numpy as jnp
import numpy as np

N = 10000
E = 160000
IN_NEIGH = 32
IN_SELF = 32
OUT = 16
EDGE_DIM = 16
EDGE_HID = 64
BN_EPS = 1e-5


def setup_inputs(seed: int = 0) -> dict:
    key = jax.random.key(seed)
    ks = jax.random.split(key, 8)
    h_neigh = jax.random.normal(ks[0], (N, IN_NEIGH), dtype=jnp.float32)
    h_self = jax.random.normal(ks[1], (N, IN_SELF), dtype=jnp.float32)
    edge_index = jax.random.randint(ks[2], (2, E), 0, N, dtype=jnp.int32)
    edge_features = jax.random.normal(ks[3], (E, EDGE_DIM), dtype=jnp.float32)
    W_self = jax.random.normal(ks[4], (IN_SELF, OUT), dtype=jnp.float32) * (1.0 / np.sqrt(IN_SELF))
    bn_gamma = jnp.ones((OUT,), dtype=jnp.float32)
    bn_beta = jnp.zeros((OUT,), dtype=jnp.float32)
    We1 = jax.random.normal(ks[5], (EDGE_DIM, EDGE_HID), dtype=jnp.float32) * (1.0 / np.sqrt(EDGE_DIM))
    be1 = jnp.zeros((EDGE_HID,), dtype=jnp.float32)
    We2 = jax.random.normal(ks[6], (EDGE_HID, IN_NEIGH * OUT), dtype=jnp.float32) * (1.0 / np.sqrt(EDGE_HID))
    be2 = jnp.zeros((IN_NEIGH * OUT,), dtype=jnp.float32)
    return {
        "h_neigh": h_neigh,
        "h_self": h_self,
        "edge_features": edge_features,
        "edge_index": edge_index,
        "W_self": W_self,
        "bn_gamma": bn_gamma,
        "bn_beta": bn_beta,
        "We1": We1,
        "be1": be1,
        "We2": We2,
        "be2": be2,
    }


def reference(h_neigh, h_self, edge_features, edge_index, W_self, bn_gamma, bn_beta, We1, be1, We2, be2):
    src = edge_index[0]
    dst = edge_index[1]
    # edge_fc: Linear -> ReLU -> Linear, producing per-edge [in_neigh, out] weight matrices
    hmid = jax.nn.relu(edge_features @ We1 + be1)
    edge_weights = (hmid @ We2 + be2).reshape(-1, IN_NEIGH, OUT)
    # dropout p=0.0 -> identity; u_mul_e: h[src].unsqueeze(-1) * edge_weights
    m = h_neigh[src][:, :, None] * edge_weights  # [E, IN_NEIGH, OUT]
    # sum aggregation over destination nodes
    neigh = jax.ops.segment_sum(m, dst, num_segments=N)  # [N, IN_NEIGH, OUT]
    h_n = neigh.sum(axis=1)  # [N, OUT]
    # fc_self: Linear (no bias) -> BatchNorm1d (training-mode batch stats) -> Tanh
    s = h_self @ W_self
    mean = s.mean(axis=0)
    var = s.var(axis=0)
    s = (s - mean) / jnp.sqrt(var + BN_EPS) * bn_gamma + bn_beta
    s = jnp.tanh(s)
    z = jax.nn.relu(s + h_n)
    z_norm = jnp.sqrt(jnp.sum(z * z, axis=1, keepdims=True))
    z_norm = jnp.where(z_norm == 0, jnp.float32(1.0), z_norm)
    return z / z_norm

if __name__ == "__main__":
    import jax
    _d = setup_inputs()
    print(jax.jit(kernel)(*tuple(_d.values())))

</pallas_src>

<mosaic_0001>
#map = affine_map<(d0, d1) -> (0, 0)>
module attributes {stable_mosaic.version = 14 : i64} {
  func.func @_gather_body(%arg0: i32, %arg1: i32, %arg2: memref<10000x32xf32, #tpu.memory_space<hbm>>, %arg3: memref<1280x125xi32, #tpu.memory_space<hbm>>, %arg4: memref<160000x32xf32, #tpu.memory_space<hbm>>, %arg5: memref<40x125xi32, #tpu.memory_space<vmem>>, %arg6: memref<1000x32xf32, #tpu.memory_space<vmem>>, %arg7: memref<!tpu.dma_semaphore, #tpu.memory_space<semaphore_mem>>) attributes {dimension_semantics = [#tpu.dimension_semantics<core_parallel>, #tpu.dimension_semantics<subcore_parallel>], iteration_bounds = array<i64: 2, 16>, scalar_prefetch = 0 : i64, scratch_operands = 3 : i64, tpu.core_type = #tpu.core_type<sc_vector_subcore>, window_params = [{transform_indices = #map}, {transform_indices = #map}, {transform_indices = #map}]} {
    %mul3A = arith.constant 2 : i32
    %mul3A_0 = arith.muli %arg1, %mul3A : i32
    %add3A = arith.addi %mul3A_0, %arg0 : i32
    %mul3A_1 = arith.constant 40 : i32
    %mul3A_2 = arith.muli %add3A, %mul3A_1 : i32
    "tpu.region"() ({
      %run_scoped3A = tpu.sem_alloc : memref<!tpu.dma_semaphore, #tpu.memory_space<semaphore_mem>>
      %dma_start3A = arith.constant 0 : i32
      %dma_start3A_8 = tpu.memref_slice %arg3[%mul3A_2, %dma_start3A] : memref<1280x125xi32, #tpu.memory_space<hbm>> -> memref<40x125xi32, #tpu.memory_space<hbm>>
      %dma_start3A_9 = arith.constant 0 : i32
      %dma_start3A_10 = tpu.memref_slice %arg3[%mul3A_2, %dma_start3A_9] : memref<1280x125xi32, #tpu.memory_space<hbm>> -> memref<40x125xi32, #tpu.memory_space<hbm>>
      tpu.enqueue_dma source(%dma_start3A_10 : memref<40x125xi32, #tpu.memory_space<hbm>>) target(%arg5 : memref<40x125xi32, #tpu.memory_space<vmem>>) target_semaphore(%run_scoped3A : memref<!tpu.dma_semaphore, #tpu.memory_space<semaphore_mem>>)
      %dma_wait3A = arith.constant 0 : i32
      %dma_wait3A_11 = tpu.memref_slice %arg3[%mul3A_2, %dma_wait3A] : memref<1280x125xi32, #tpu.memory_space<hbm>> -> memref<40x125xi32, #tpu.memory_space<hbm>>
      %dma_wait3A_12 = arith.constant 0 : i32
      %dma_wait3A_13 = tpu.memref_slice %arg3[%mul3A_2, %dma_wait3A_12] : memref<1280x125xi32, #tpu.memory_space<hbm>> -> memref<40x125xi32, #tpu.memory_space<hbm>>
      tpu.wait_dma2 semaphore(%run_scoped3A : memref<!tpu.dma_semaphore, #tpu.memory_space<semaphore_mem>>) src(%dma_wait3A_13 : memref<40x125xi32, #tpu.memory_space<hbm>>) dst(%arg5 : memref<40x125xi32, #tpu.memory_space<vmem>>)
      tpu.yield
    }) : () -> ()
    %scan3A = arith.constant 0 : i32
    %scan3A_3 = arith.constant 0 : i32
    %scan3A_4 = arith.constant 5 : i32
    %scan3A_5 = arith.addi %scan3A_3, %scan3A_4 : i32
    %scan3A_6 = arith.constant 1 : i32
    scf.for %scan3A_8 = %scan3A_3 to %scan3A_5 step %scan3A_6  : i32 {
      %mul3A_9 = arith.constant 8 : i32
      %mul3A_10 = arith.muli %scan3A_8, %mul3A_9 : i32
      %add3A_11 = arith.constant 0 : i32
      %add3A_12 = arith.addi %mul3A_10, %add3A_11 : i32
      %dma_start3A = arith.constant 0 : i32
      %dma_start3A_13 = arith.constant 0 : i32
      %dma_start3A_14 = tpu.memref_slice %arg6[%dma_start3A, %dma_start3A_13] : memref<1000x32xf32, #tpu.memory_space<vmem>> -> memref<125x32xf32, #tpu.memory_space<vmem>>
      %dma_start3A_15 = arith.constant 0 : i32
      %dma_start3A_16 = tpu.memref_slice %arg5[%add3A_12, %dma_start3A_15] : memref<40x125xi32, #tpu.memory_space<vmem>> -> memref<1x125xi32, #tpu.memory_space<vmem>>
      %dma_start3A_17 = tpu.memref_squeeze %dma_start3A_16 : memref<1x125xi32, #tpu.memory_space<vmem>> -> memref<125xi32, #tpu.memory_space<vmem>>
      %dma_start3A_18 = arith.constant 0 : i32
      %dma_start3A_19 = arith.constant 0 : i32
      %dma_start3A_20 = tpu.memref_slice %arg2[%dma_start3A_18, %dma_start3A_19] : memref<10000x32xf32, #tpu.memory_space<hbm>> -> memref<10000x32xf32, #tpu.memory_space<hbm>>
      tpu.enqueue_indirect_dma source(%dma_start3A_20 : memref<10000x32xf32, #tpu.memory_space<hbm>>) target(%dma_start3A_14 : memref<125x32xf32, #tpu.memory_space<vmem>>) offsets(%dma_start3A_17 : memref<125xi32, #tpu.memory_space<vmem>>) semaphore(%arg7 : memref<!tpu.dma_semaphore, #tpu.memory_space<semaphore_mem>>)
      %mul3A_21 = arith.constant 8 : i32
      %mul3A_22 = arith.muli %scan3A_8, %mul3A_21 : i32
      %add3A_23 = arith.constant 1 : i32
      %add3A_24 = arith.addi %mul3A_22, %add3A_23 : i32
      %dma_start3A_25 = arith.constant 125 : i32
      %dma_start3A_26 = arith.constant 0 : i32
      %dma_start3A_27 = tpu.memref_slice %arg6[%dma_start3A_25, %dma_start3A_26] : memref<1000x32xf32, #tpu.memory_space<vmem>> -> memref<125x32xf32, #tpu.memory_space<vmem>>
      %dma_start3A_28 = arith.constant 0 : i32
      %dma_start3A_29 = tpu.memref_slice %arg5[%add3A_24, %dma_start3A_28] : memref<40x125xi32, #tpu.memory_space<vmem>> -> memref<1x125xi32, #tpu.memory_space<vmem>>
      %dma_start3A_30 = tpu.memref_squeeze %dma_start3A_29 : memref<1x125xi32, #tpu.memory_space<vmem>> -> memref<125xi32, #tpu.memory_space<vmem>>
      %dma_start3A_31 = arith.constant 0 : i32
      %dma_start3A_32 = arith.constant 0 : i32
      %dma_start3A_33 = tpu.memref_slice %arg2[%dma_start3A_31, %dma_start3A_32] : memref<10000x32xf32, #tpu.memory_space<hbm>> -> memref<10000x32xf32, #tpu.memory_space<hbm>>
      tpu.enqueue_indirect_dma source(%dma_start3A_33 : memref<10000x32xf32, #tpu.memory_space<hbm>>) target(%dma_start3A_27 : memref<125x32xf32, #tpu.memory_space<vmem>>) offsets(%dma_start3A_30 : memref<125xi32, #tpu.memory_space<vmem>>) semaphore(%arg7 : memref<!tpu.dma_semaphore, #tpu.memory_space<semaphore_mem>>)
      %mul3A_34 = arith.constant 8 : i32
      %mul3A_35 = arith.muli %scan3A_8, %mul3A_34 : i32
      %add3A_36 = arith.constant 2 : i32
      %add3A_37 = arith.addi %mul3A_35, %add3A_36 : i32
      %dma_start3A_38 = arith.constant 250 : i32
      %dma_start3A_39 = arith.constant 0 : i32
      %dma_start3A_40 = tpu.memref_slice %arg6[%dma_start3A_38, %dma_start3A_39] : memref<1000x32xf32, #tpu.memory_space<vmem>> -> memref<125x32xf32, #tpu.memory_space<vmem>>
      %dma_start3A_41 = arith.constant 0 : i32
      %dma_start3A_42 = tpu.memref_slice %arg5[%add3A_37, %dma_start3A_41] : memref<40x125xi32, #tpu.memory_space<vmem>> -> memref<1x125xi32, #tpu.memory_space<vmem>>
      %dma_start3A_43 = tpu.memref_squeeze %dma_start3A_42 : memref<1x125xi32, #tpu.memory_space<vmem>> -> memref<125xi32, #tpu.memory_space<vmem>>
      %dma_start3A_44 = arith.constant 0 : i32
      %dma_start3A_45 = arith.constant 0 : i32
      %dma_start3A_46 = tpu.memref_slice %arg2[%dma_start3A_44, %dma_start3A_45] : memref<10000x32xf32, #tpu.memory_space<hbm>> -> memref<10000x32xf32, #tpu.memory_space<hbm>>
      tpu.enqueue_indirect_dma source(%dma_start3A_46 : memref<10000x32xf32, #tpu.memory_space<hbm>>) target(%dma_start3A_40 : memref<125x32xf32, #tpu.memory_space<vmem>>) offsets(%dma_start3A_43 : memref<125xi32, #tpu.memory_space<vmem>>) semaphore(%arg7 : memref<!tpu.dma_semaphore, #tpu.memory_space<semaphore_mem>>)
      %mul3A_47 = arith.constant 8 : i32
      %mul3A_48 = arith.muli %scan3A_8, %mul3A_47 : i32
      %add3A_49 = arith.constant 3 : i32
      %add3A_50 = arith.addi %mul3A_48, %add3A_49 : i32
      %dma_start3A_51 = arith.constant 375 : i32
      %dma_start3A_52 = arith.constant 0 : i32
      %dma_start3A_53 = tpu.memref_slice %arg6[%dma_start3A_51, %dma_start3A_52] : memref<1000x32xf32, #tpu.memory_space<vmem>> -> memref<125x32xf32, #tpu.memory_space<vmem>>
      %dma_start3A_54 = arith.constant 0 : i32
      %dma_start3A_55 = tpu.memref_slice %arg5[%add3A_50, %dma_start3A_54] : memref<40x125xi32, #tpu.memory_space<vmem>> -> memref<1x125xi32, #tpu.memory_space<vmem>>
      %dma_start3A_56 = tpu.memref_squeeze %dma_start3A_55 : memref<1x125xi32, #tpu.memory_space<vmem>> -> memref<125xi32, #tpu.memory_space<vmem>>
      %dma_start3A_57 = arith.constant 0 : i32
      %dma_start3A_58 = arith.constant 0 : i32
      %dma_start3A_59 = tpu.memref_slice %arg2[%dma_start3A_57, %dma_start3A_58] : memref<10000x32xf32, #tpu.memory_space<hbm>> -> memref<10000x32xf32, #tpu.memory_space<hbm>>
      tpu.enqueue_indirect_dma source(%dma_start3A_59 : memref<10000x32xf32, #tpu.memory_space<hbm>>) target(%dma_start3A_53 : memref<125x32xf32, #tpu.memory_space<vmem>>) offsets(%dma_start3A_56 : memref<125xi32, #tpu.memory_space<vmem>>) semaphore(%arg7 : memref<!tpu.dma_semaphore, #tpu.memory_space<semaphore_mem>>)
      %mul3A_60 = arith.constant 8 : i32
      %mul3A_61 = arith.muli %scan3A_8, %mul3A_60 : i32
      %add3A_62 = arith.constant 4 : i32
      %add3A_63 = arith.addi %mul3A_61, %add3A_62 : i32
      %dma_start3A_64 = arith.constant 500 : i32
      %dma_start3A_65 = arith.constant 0 : i32
      %dma_start3A_66 = tpu.memref_slice %arg6[%dma_start3A_64, %dma_start3A_65] : memref<1000x32xf32, #tpu.memory_space<vmem>> -> memref<125x32xf32, #tpu.memory_space<vmem>>
      %dma_start3A_67 = arith.constant 0 : i32
      %dma_start3A_68 = tpu.memref_slice %arg5[%add3A_63, %dma_start3A_67] : memref<40x125xi32, #tpu.memory_space<vmem>> -> memref<1x125xi32, #tpu.memory_space<vmem>>
      %dma_start3A_69 = tpu.memref_squeeze %dma_start3A_68 : memref<1x125xi32, #tpu.memory_space<vmem>> -> memref<125xi32, #tpu.memory_space<vmem>>
      %dma_start3A_70 = arith.constant 0 : i32
      %dma_start3A_71 = arith.constant 0 : i32
      %dma_start3A_72 = tpu.memref_slice %arg2[%dma_start3A_70, %dma_start3A_71] : memref<10000x32xf32, #tpu.memory_space<hbm>> -> memref<10000x32xf32, #tpu.memory_space<hbm>>
      tpu.enqueue_indirect_dma source(%dma_start3A_72 : memref<10000x32xf32, #tpu.memory_space<hbm>>) target(%dma_start3A_66 : memref<125x32xf32, #tpu.memory_space<vmem>>) offsets(%dma_start3A_69 : memref<125xi32, #tpu.memory_space<vmem>>) semaphore(%arg7 : memref<!tpu.dma_semaphore, #tpu.memory_space<semaphore_mem>>)
      %mul3A_73 = arith.constant 8 : i32
      %mul3A_74 = arith.muli %scan3A_8, %mul3A_73 : i32
      %add3A_75 = arith.constant 5 : i32
      %add3A_76 = arith.addi %mul3A_74, %add3A_75 : i32
      %dma_start3A_77 = arith.constant 625 : i32
      %dma_start3A_78 = arith.constant 0 : i32
      %dma_start3A_79 = tpu.memref_slice %arg6[%dma_start3A_77, %dma_start3A_78] : memref<1000x32xf32, #tpu.memory_space<vmem>> -> memref<125x32xf32, #tpu.memory_space<vmem>>
      %dma_start3A_80 = arith.constant 0 : i32
      %dma_start3A_81 = tpu.memref_slice %arg5[%add3A_76, %dma_start3A_80] : memref<40x125xi32, #tpu.memory_space<vmem>> -> memref<1x125xi32, #tpu.memory_space<vmem>>
      %dma_start3A_82 = tpu.memref_squeeze %dma_start3A_81 : memref<1x125xi32, #tpu.memory_space<vmem>> -> memref<125xi32, #tpu.memory_space<vmem>>
      %dma_start3A_83 = arith.constant 0 : i32
      %dma_start3A_84 = arith.constant 0 : i32
      %dma_start3A_85 = tpu.memref_slice %arg2[%dma_start3A_83, %dma_start3A_84] : memref<10000x32xf32, #tpu.memory_space<hbm>> -> memref<10000x32xf32, #tpu.memory_space<hbm>>
      tpu.enqueue_indirect_dma source(%dma_start3A_85 : memref<10000x32xf32, #tpu.memory_space<hbm>>) target(%dma_start3A_79 : memref<125x32xf32, #tpu.memory_space<vmem>>) offsets(%dma_start3A_82 : memref<125xi32, #tpu.memory_space<vmem>>) semaphore(%arg7 : memref<!tpu.dma_semaphore, #tpu.memory_space<semaphore_mem>>)
      %mul3A_86 = arith.constant 8 : i32
      %mul3A_87 = arith.muli %scan3A_8, %mul3A_86 : i32
      %add3A_88 = arith.constant 6 : i32
      %add3A_89 = arith.addi %mul3A_87, %add3A_88 : i32
      %dma_start3A_90 = arith.constant 750 : i32
      %dma_start3A_91 = arith.constant 0 : i32
      %dma_start3A_92 = tpu.memref_slice %arg6[%dma_start3A_90, %dma_start3A_91] : memref<1000x32xf32, #tpu.memory_space<vmem>> -> memref<125x32xf32, #tpu.memory_space<vmem>>
      %dma_start3A_93 = arith.constant 0 : i32
      %dma_start3A_94 = tpu.memref_slice %arg5[%add3A_89, %dma_start3A_93] : memref<40x125xi32, #tpu.memory_space<vmem>> -> memref<1x125xi32, #tpu.memory_space<vmem>>
      %dma_start3A_95 = tpu.memref_squeeze %dma_start3A_94 : memref<1x125xi32, #tpu.memory_space<vmem>> -> memref<125xi32, #tpu.memory_space<vmem>>
      %dma_start3A_96 = arith.constant 0 : i32
      %dma_start3A_97 = arith.constant 0 : i32
      %dma_start3A_98 = tpu.memref_slice %arg2[%dma_start3A_96, %dma_start3A_97] : memref<10000x32xf32, #tpu.memory_space<hbm>> -> memref<10000x32xf32, #tpu.memory_space<hbm>>
      tpu.enqueue_indirect_dma source(%dma_start3A_98 : memref<10000x32xf32, #tpu.memory_space<hbm>>) target(%dma_start3A_92 : memref<125x32xf32, #tpu.memory_space<vmem>>) offsets(%dma_start3A_95 : memref<125xi32, #tpu.memory_space<vmem>>) semaphore(%arg7 : memref<!tpu.dma_semaphore, #tpu.memory_space<semaphore_mem>>)
      %mul3A_99 = arith.constant 8 : i32
      %mul3A_100 = arith.muli %scan3A_8, %mul3A_99 : i32
      %add3A_101 = arith.constant 7 : i32
      %add3A_102 = arith.addi %mul3A_100, %add3A_101 : i32
      %dma_start3A_103 = arith.constant 875 : i32
      %dma_start3A_104 = arith.constant 0 : i32
      %dma_start3A_105 = tpu.memref_slice %arg6[%dma_start3A_103, %dma_start3A_104] : memref<1000x32xf32, #tpu.memory_space<vmem>> -> memref<125x32xf32, #tpu.memory_space<vmem>>
      %dma_start3A_106 = arith.constant 0 : i32
      %dma_start3A_107 = tpu.memref_slice %arg5[%add3A_102, %dma_start3A_106] : memref<40x125xi32, #tpu.memory_space<vmem>> -> memref<1x125xi32, #tpu.memory_space<vmem>>
      %dma_start3A_108 = tpu.memref_squeeze %dma_start3A_107 : memref<1x125xi32, #tpu.memory_space<vmem>> -> memref<125xi32, #tpu.memory_space<vmem>>
      %dma_start3A_109 = arith.constant 0 : i32
      %dma_start3A_110 = arith.constant 0 : i32
      %dma_start3A_111 = tpu.memref_slice %arg2[%dma_start3A_109, %dma_start3A_110] : memref<10000x32xf32, #tpu.memory_space<hbm>> -> memref<10000x32xf32, #tpu.memory_space<hbm>>
      tpu.enqueue_indirect_dma source(%dma_start3A_111 : memref<10000x32xf32, #tpu.memory_space<hbm>>) target(%dma_start3A_105 : memref<125x32xf32, #tpu.memory_space<vmem>>) offsets(%dma_start3A_108 : memref<125xi32, #tpu.memory_space<vmem>>) semaphore(%arg7 : memref<!tpu.dma_semaphore, #tpu.memory_space<semaphore_mem>>)
      %dma_wait3A = arith.constant 0 : i32
      %dma_wait3A_112 = arith.constant 0 : i32
      %dma_wait3A_113 = tpu.memref_slice %arg6[%dma_wait3A, %dma_wait3A_112] : memref<1000x32xf32, #tpu.memory_space<vmem>> -> memref<125x32xf32, #tpu.memory_space<vmem>>
      %dma_wait3A_114 = arith.constant 0 : i32
      %dma_wait3A_115 = tpu.memref_slice %arg5[%add3A_12, %dma_wait3A_114] : memref<40x125xi32, #tpu.memory_space<vmem>> -> memref<1x125xi32, #tpu.memory_space<vmem>>
      %dma_wait3A_116 = tpu.memref_squeeze %dma_wait3A_115 : memref<1x125xi32, #tpu.memory_space<vmem>> -> memref<125xi32, #tpu.memory_space<vmem>>
      %dma_wait3A_117 = arith.constant 0 : i32
      %dma_wait3A_118 = arith.constant 0 : i32
      %dma_wait3A_119 = tpu.memref_slice %arg2[%dma_wait3A_117, %dma_wait3A_118] : memref<10000x32xf32, #tpu.memory_space<hbm>> -> memref<10000x32xf32, #tpu.memory_space<hbm>>
      tpu.wait_indirect_dma semaphore(%arg7 : memref<!tpu.dma_semaphore, #tpu.memory_space<semaphore_mem>>) src(%dma_wait3A_119 : memref<10000x32xf32, #tpu.memory_space<hbm>>) dst(%dma_wait3A_113 : memref<125x32xf32, #tpu.memory_space<vmem>>)
      %dma_wait3A_120 = arith.constant 125 : i32
      %dma_wait3A_121 = arith.constant 0 : i32
      %dma_wait3A_122 = tpu.memref_slice %arg6[%dma_wait3A_120, %dma_wait3A_121] : memref<1000x32xf32, #tpu.memory_space<vmem>> -> memref<125x32xf32, #tpu.memory_space<vmem>>
      %dma_wait3A_123 = arith.constant 0 : i32
      %dma_wait3A_124 = tpu.memref_slice %arg5[%add3A_24, %dma_wait3A_123] : memref<40x125xi32, #tpu.memory_space<vmem>> -> memref<1x125xi32, #tpu.memory_space<vmem>>
      %dma_wait3A_125 = tpu.memref_squeeze %dma_wait3A_124 : memref<1x125xi32, #tpu.memory_space<vmem>> -> memref<125xi32, #tpu.memory_space<vmem>>
      %dma_wait3A_126 = arith.constant 0 : i32
      %dma_wait3A_127 = arith.constant 0 : i32
      %dma_wait3A_128 = tpu.memref_slice %arg2[%dma_wait3A_126, %dma_wait3A_127] : memref<10000x32xf32, #tpu.memory_space<hbm>> -> memref<10000x32xf32, #tpu.memory_space<hbm>>
      tpu.wait_indirect_dma semaphore(%arg7 : memref<!tpu.dma_semaphore, #tpu.memory_space<semaphore_mem>>) src(%dma_wait3A_128 : memref<10000x32xf32, #tpu.memory_space<hbm>>) dst(%dma_wait3A_122 : memref<125x32xf32, #tpu.memory_space<vmem>>)
      %dma_wait3A_129 = arith.constant 250 : i32
      %dma_wait3A_130 = arith.constant 0 : i32
      %dma_wait3A_131 = tpu.memref_slice %arg6[%dma_wait3A_129, %dma_wait3A_130] : memref<1000x32xf32, #tpu.memory_space<vmem>> -> memref<125x32xf32, #tpu.memory_space<vmem>>
      %dma_wait3A_132 = arith.constant 0 : i32
      %dma_wait3A_133 = tpu.memref_slice %arg5[%add3A_37, %dma_wait3A_132] : memref<40x125xi32, #tpu.memory_space<vmem>> -> memref<1x125xi32, #tpu.memory_space<vmem>>
      %dma_wait3A_134 = tpu.memref_squeeze %dma_wait3A_133 : memref<1x125xi32, #tpu.memory_space<vmem>> -> memref<125xi32, #tpu.memory_space<vmem>>
      %dma_wait3A_135 = arith.constant 0 : i32
      %dma_wait3A_136 = arith.constant 0 : i32
      %dma_wait3A_137 = tpu.memref_slice %arg2[%dma_wait3A_135, %dma_wait3A_136] : memref<10000x32xf32, #tpu.memory_space<hbm>> -> memref<10000x32xf32, #tpu.memory_space<hbm>>
      tpu.wait_indirect_dma semaphore(%arg7 : memref<!tpu.dma_semaphore, #tpu.memory_space<semaphore_mem>>) src(%dma_wait3A_137 : memref<10000x32xf32, #tpu.memory_space<hbm>>) dst(%dma_wait3A_131 : memref<125x32xf32, #tpu.memory_space<vmem>>)
      %dma_wait3A_138 = arith.constant 375 : i32
      %dma_wait3A_139 = arith.constant 0 : i32
      %dma_wait3A_140 = tpu.memref_slice %arg6[%dma_wait3A_138, %dma_wait3A_139] : memref<1000x32xf32, #tpu.memory_space<vmem>> -> memref<125x32xf32, #tpu.memory_space<vmem>>
      %dma_wait3A_141 = arith.constant 0 : i32
      %dma_wait3A_142 = tpu.memref_slice %arg5[%add3A_50, %dma_wait3A_141] : memref<40x125xi32, #tpu.memory_space<vmem>> -> memref<1x125xi32, #tpu.memory_space<vmem>>
      %dma_wait3A_143 = tpu.memref_squeeze %dma_wait3A_142 : memref<1x125xi32, #tpu.memory_space<vmem>> -> memref<125xi32, #tpu.memory_space<vmem>>
      %dma_wait3A_144 = arith.constant 0 : i32
      %dma_wait3A_145 = arith.constant 0 : i32
      %dma_wait3A_146 = tpu.memref_slice %arg2[%dma_wait3A_144, %dma_wait3A_145] : memref<10000x32xf32, #tpu.memory_space<hbm>> -> memref<10000x32xf32, #tpu.memory_space<hbm>>
      tpu.wait_indirect_dma semaphore(%arg7 : memref<!tpu.dma_semaphore, #tpu.memory_space<semaphore_mem>>) src(%dma_wait3A_146 : memref<10000x32xf32, #tpu.memory_space<hbm>>) dst(%dma_wait3A_140 : memref<125x32xf32, #tpu.memory_space<vmem>>)
      %dma_wait3A_147 = arith.constant 500 : i32
      %dma_wait3A_148 = arith.constant 0 : i32
      %dma_wait3A_149 = tpu.memref_slice %arg6[%dma_wait3A_147, %dma_wait3A_148] : memref<1000x32xf32, #tpu.memory_space<vmem>> -> memref<125x32xf32, #tpu.memory_space<vmem>>
      %dma_wait3A_150 = arith.constant 0 : i32
      %dma_wait3A_151 = tpu.memref_slice %arg5[%add3A_63, %dma_wait3A_150] : memref<40x125xi32, #tpu.memory_space<vmem>> -> memref<1x125xi32, #tpu.memory_space<vmem>>
      %dma_wait3A_152 = tpu.memref_squeeze %dma_wait3A_151 : memref<1x125xi32, #tpu.memory_space<vmem>> -> memref<125xi32, #tpu.memory_space<vmem>>
      %dma_wait3A_153 = arith.constant 0 : i32
      %dma_wait3A_154 = arith.constant 0 : i32
      %dma_wait3A_155 = tpu.memref_slice %arg2[%dma_wait3A_153, %dma_wait3A_154] : memref<10000x32xf32, #tpu.memory_space<hbm>> -> memref<10000x32xf32, #tpu.memory_space<hbm>>
      tpu.wait_indirect_dma semaphore(%arg7 : memref<!tpu.dma_semaphore, #tpu.memory_space<semaphore_mem>>) src(%dma_wait3A_155 : memref<10000x32xf32, #tpu.memory_space<hbm>>) dst(%dma_wait3A_149 : memref<125x32xf32, #tpu.memory_space<vmem>>)
      %dma_wait3A_156 = arith.constant 625 : i32
      %dma_wait3A_157 = arith.constant 0 : i32
      %dma_wait3A_158 = tpu.memref_slice %arg6[%dma_wait3A_156, %dma_wait3A_157] : memref<1000x32xf32, #tpu.memory_space<vmem>> -> memref<125x32xf32, #tpu.memory_space<vmem>>
      %dma_wait3A_159 = arith.constant 0 : i32
      %dma_wait3A_160 = tpu.memref_slice %arg5[%add3A_76, %dma_wait3A_159] : memref<40x125xi32, #tpu.memory_space<vmem>> -> memref<1x125xi32, #tpu.memory_space<vmem>>
      %dma_wait3A_161 = tpu.memref_squeeze %dma_wait3A_160 : memref<1x125xi32, #tpu.memory_space<vmem>> -> memref<125xi32, #tpu.memory_space<vmem>>
      %dma_wait3A_162 = arith.constant 0 : i32
      %dma_wait3A_163 = arith.constant 0 : i32
      %dma_wait3A_164 = tpu.memref_slice %arg2[%dma_wait3A_162, %dma_wait3A_163] : memref<10000x32xf32, #tpu.memory_space<hbm>> -> memref<10000x32xf32, #tpu.memory_space<hbm>>
      tpu.wait_indirect_dma semaphore(%arg7 : memref<!tpu.dma_semaphore, #tpu.memory_space<semaphore_mem>>) src(%dma_wait3A_164 : memref<10000x32xf32, #tpu.memory_space<hbm>>) dst(%dma_wait3A_158 : memref<125x32xf32, #tpu.memory_space<vmem>>)
      %dma_wait3A_165 = arith.constant 750 : i32
      %dma_wait3A_166 = arith.constant 0 : i32
      %dma_wait3A_167 = tpu.memref_slice %arg6[%dma_wait3A_165, %dma_wait3A_166] : memref<1000x32xf32, #tpu.memory_space<vmem>> -> memref<125x32xf32, #tpu.memory_space<vmem>>
      %dma_wait3A_168 = arith.constant 0 : i32
      %dma_wait3A_169 = tpu.memref_slice %arg5[%add3A_89, %dma_wait3A_168] : memref<40x125xi32, #tpu.memory_space<vmem>> -> memref<1x125xi32, #tpu.memory_space<vmem>>
      %dma_wait3A_170 = tpu.memref_squeeze %dma_wait3A_169 : memref<1x125xi32, #tpu.memory_space<vmem>> -> memref<125xi32, #tpu.memory_space<vmem>>
      %dma_wait3A_171 = arith.constant 0 : i32
      %dma_wait3A_172 = arith.constant 0 : i32
      %dma_wait3A_173 = tpu.memref_slice %arg2[%dma_wait3A_171, %dma_wait3A_172] : memref<10000x32xf32, #tpu.memory_space<hbm>> -> memref<10000x32xf32, #tpu.memory_space<hbm>>
      tpu.wait_indirect_dma semaphore(%arg7 : memref<!tpu.dma_semaphore, #tpu.memory_space<semaphore_mem>>) src(%dma_wait3A_173 : memref<10000x32xf32, #tpu.memory_space<hbm>>) dst(%dma_wait3A_167 : memref<125x32xf32, #tpu.memory_space<vmem>>)
      %dma_wait3A_174 = arith.constant 875 : i32
      %dma_wait3A_175 = arith.constant 0 : i32
      %dma_wait3A_176 = tpu.memref_slice %arg6[%dma_wait3A_174, %dma_wait3A_175] : memref<1000x32xf32, #tpu.memory_space<vmem>> -> memref<125x32xf32, #tpu.memory_space<vmem>>
      %dma_wait3A_177 = arith.constant 0 : i32
      %dma_wait3A_178 = tpu.memref_slice %arg5[%add3A_102, %dma_wait3A_177] : memref<40x125xi32, #tpu.memory_space<vmem>> -> memref<1x125xi32, #tpu.memory_space<vmem>>
      %dma_wait3A_179 = tpu.memref_squeeze %dma_wait3A_178 : memref<1x125xi32, #tpu.memory_space<vmem>> -> memref<125xi32, #tpu.memory_space<vmem>>
      %dma_wait3A_180 = arith.constant 0 : i32
      %dma_wait3A_181 = arith.constant 0 : i32
      %dma_wait3A_182 = tpu.memref_slice %arg2[%dma_wait3A_180, %dma_wait3A_181] : memref<10000x32xf32, #tpu.memory_space<hbm>> -> memref<10000x32xf32, #tpu.memory_space<hbm>>
      tpu.wait_indirect_dma semaphore(%arg7 : memref<!tpu.dma_semaphore, #tpu.memory_space<semaphore_mem>>) src(%dma_wait3A_182 : memref<10000x32xf32, #tpu.memory_space<hbm>>) dst(%dma_wait3A_176 : memref<125x32xf32, #tpu.memory_space<vmem>>)
      %mul3A_183 = arith.constant 5000 : i32
      %mul3A_184 = arith.muli %add3A, %mul3A_183 : i32
      %mul3A_185 = arith.constant 8 : i32
      %mul3A_186 = arith.muli %scan3A_8, %mul3A_185 : i32
      %mul3A_187 = arith.constant 125 : i32
      %mul3A_188 = arith.muli %mul3A_186, %mul3A_187 : i32
      %add3A_189 = arith.addi %mul3A_184, %mul3A_188 : i32
      "tpu.region"() ({
        %run_scoped3A = tpu.sem_alloc : memref<!tpu.dma_semaphore, #tpu.memory_space<semaphore_mem>>
        %dma_start3A_190 = arith.constant 0 : i32
        %dma_start3A_191 = tpu.memref_slice %arg4[%add3A_189, %dma_start3A_190] : memref<160000x32xf32, #tpu.memory_space<hbm>> -> memref<1000x32xf32, #tpu.memory_space<hbm>>
        %dma_start3A_192 = arith.constant 0 : i32
        %dma_start3A_193 = tpu.memref_slice %arg4[%add3A_189, %dma_start3A_192] : memref<160000x32xf32, #tpu.memory_space<hbm>> -> memref<1000x32xf32, #tpu.memory_space<hbm>>
        tpu.enqueue_dma source(%arg6 : memref<1000x32xf32, #tpu.memory_space<vmem>>) target(%dma_start3A_193 : memref<1000x32xf32, #tpu.memory_space<hbm>>) target_semaphore(%run_scoped3A : memref<!tpu.dma_semaphore, #tpu.memory_space<semaphore_mem>>)
        %dma_wait3A_194 = arith.constant 0 : i32
        %dma_wait3A_195 = tpu.memref_slice %arg4[%add3A_189, %dma_wait3A_194] : memref<160000x32xf32, #tpu.memory_space<hbm>> -> memref<1000x32xf32, #tpu.memory_space<hbm>>
        %dma_wait3A_196 = arith.constant 0 : i32
        %dma_wait3A_197 = tpu.memref_slice %arg4[%add3A_189, %dma_wait3A_196] : memref<160000x32xf32, #tpu.memory_space<hbm>> -> memref<1000x32xf32, #tpu.memory_space<hbm>>
        tpu.wait_dma2 semaphore(%run_scoped3A : memref<!tpu.dma_semaphore, #tpu.memory_space<semaphore_mem>>) src(%arg6 : memref<1000x32xf32, #tpu.memory_space<vmem>>) dst(%dma_wait3A_197 : memref<1000x32xf32, #tpu.memory_space<hbm>>)
        tpu.yield
      }) : () -> ()
    }
    %scan3A_7 = arith.constant 5 : i32
    return
  }
}

#map = affine_map<(d0, d1) -> (0, 0)>
#map1 = affine_map<(d0, d1) -> (0, 0, 0)>
module attributes {stable_mosaic.version = 14 : i64} {
  func.func @_scatter_body(%arg0: i32, %arg1: i32, %arg2: memref<160000x16xf32, #tpu.memory_space<hbm>>, %arg3: memref<1280x125xi32, #tpu.memory_space<hbm>>, %arg4: memref<2x10000x16xf32, #tpu.memory_space<hbm>>, %arg5: memref<10000x16xf32, #tpu.memory_space<vmem_shared>>, %arg6: memref<40x125xi32, #tpu.memory_space<vmem>>, %arg7: memref<5000x16xf32, #tpu.memory_space<vmem>>, %arg8: memref<640x16xf32, #tpu.memory_space<vmem>>) attributes {dimension_semantics = [#tpu.dimension_semantics<core_parallel>, #tpu.dimension_semantics<subcore_parallel>], iteration_bounds = array<i64: 2, 16>, scalar_prefetch = 0 : i64, scratch_operands = 4 : i64, tpu.core_type = #tpu.core_type<sc_vector_subcore>, window_params = [{transform_indices = #map}, {transform_indices = #map}, {transform_indices = #map1}]} {
    %mul3A = arith.constant 2 : i32
    %mul3A_0 = arith.muli %arg1, %mul3A : i32
    %add3A = arith.addi %mul3A_0, %arg0 : i32
    %scan3A = arith.constant 0 : i32
    %scan3A_1 = arith.constant 0 : i32
    %scan3A_2 = arith.constant 640 : i32
    %scan3A_3 = arith.addi %scan3A_1, %scan3A_2 : i32
    %scan3A_4 = arith.constant 1 : i32
    scf.for %scan3A_30 = %scan3A_1 to %scan3A_3 step %scan3A_4  : i32 {
      %broadcast_in_dim3A = arith.constant 0.000000e+00 : f32
      %broadcast_in_dim3A_31 = vector.broadcast %broadcast_in_dim3A : f32 to vector<16xf32>
      %swap3A = arith.index_cast %scan3A_30 : i32 to index
      %swap3A_32 = arith.constant 0 : index
      %swap3A_33 = tpu.vector_load %arg8[%swap3A, %swap3A_32] {strides = array<i32>} : memref<640x16xf32, #tpu.memory_space<vmem>>, vector<1x16xf32>,
      %swap3A_34 = vector.shape_cast %swap3A_33 : vector<1x16xf32> to vector<16xf32>
      %swap3A_35 = vector.shape_cast %broadcast_in_dim3A_31 : vector<16xf32> to vector<1x16xf32>
      tpu.vector_store %arg8[%swap3A, %swap3A_32], %swap3A_35 {strides = array<i32>} : memref<640x16xf32, #tpu.memory_space<vmem>>, vector<1x16xf32>,
    }
    %scan3A_5 = arith.constant 640 : i32
    %mul3A_6 = arith.constant 624 : i32
    %mul3A_7 = arith.muli %arg1, %mul3A_6 : i32
    "tpu.region"() ({
      %run_scoped3A = tpu.sem_alloc : memref<!tpu.dma_semaphore, #tpu.memory_space<semaphore_mem>>
      %dma_start3A = arith.constant 0 : i32
      %dma_start3A_30 = arith.constant 0 : i32
      %dma_start3A_31 = tpu.memref_slice %arg8[%dma_start3A, %dma_start3A_30] : memref<640x16xf32, #tpu.memory_space<vmem>> -> memref<624x16xf32, #tpu.memory_space<vmem>>
      %dma_start3A_32 = arith.constant 0 : i32
      %dma_start3A_33 = tpu.memref_slice %arg5[%mul3A_7, %dma_start3A_32] : memref<10000x16xf32, #tpu.memory_space<vmem_shared>> -> memref<624x16xf32, #tpu.memory_space<vmem_shared>>
      %dma_start3A_34 = arith.constant 0 : i32
      %dma_start3A_35 = tpu.memref_slice %arg5[%mul3A_7, %dma_start3A_34] : memref<10000x16xf32, #tpu.memory_space<vmem_shared>> -> memref<624x16xf32, #tpu.memory_space<vmem_shared>>
      %dma_start3A_36 = arith.constant 0 : i32
      %dma_start3A_37 = arith.constant 0 : i32
      %dma_start3A_38 = tpu.memref_slice %arg8[%dma_start3A_36, %dma_start3A_37] : memref<640x16xf32, #tpu.memory_space<vmem>> -> memref<624x16xf32, #tpu.memory_space<vmem>>
      tpu.enqueue_dma source(%dma_start3A_38 : memref<624x16xf32, #tpu.memory_space<vmem>>) target(%dma_start3A_35 : memref<624x16xf32, #tpu.memory_space<vmem_shared>>) target_semaphore(%run_scoped3A : memref<!tpu.dma_semaphore, #tpu.memory_space<semaphore_mem>>)
      %dma_wait3A = arith.constant 0 : i32
      %dma_wait3A_39 = arith.constant 0 : i32
      %dma_wait3A_40 = tpu.memref_slice %arg8[%dma_wait3A, %dma_wait3A_39] : memref<640x16xf32, #tpu.memory_space<vmem>> -> memref<624x16xf32, #tpu.memory_space<vmem>>
      %dma_wait3A_41 = arith.constant 0 : i32
      %dma_wait3A_42 = tpu.memref_slice %arg5[%mul3A_7, %dma_wait3A_41] : memref<10000x16xf32, #tpu.memory_space<vmem_shared>> -> memref<624x16xf32, #tpu.memory_space<vmem_shared>>
      %dma_wait3A_43 = arith.constant 0 : i32
      %dma_wait3A_44 = tpu.memref_slice %arg5[%mul3A_7, %dma_wait3A_43] : memref<10000x16xf32, #tpu.memory_space<vmem_shared>> -> memref<624x16xf32, #tpu.memory_space<vmem_shared>>
      %dma_wait3A_45 = arith.constant 0 : i32
      %dma_wait3A_46 = arith.constant 0 : i32
      %dma_wait3A_47 = tpu.memref_slice %arg8[%dma_wait3A_45, %dma_wait3A_46] : memref<640x16xf32, #tpu.memory_space<vmem>> -> memref<624x16xf32, #tpu.memory_space<vmem>>
      tpu.wait_dma2 semaphore(%run_scoped3A : memref<!tpu.dma_semaphore, #tpu.memory_space<semaphore_mem>>) src(%dma_wait3A_47 : memref<624x16xf32, #tpu.memory_space<vmem>>) dst(%dma_wait3A_44 : memref<624x16xf32, #tpu.memory_space<vmem_shared>>)
      tpu.yield
    }) : () -> ()
    %eq3A = arith.constant 15 : i32
    %eq3A_8 = arith.cmpi eq, %arg1, %eq3A : i32
    %convert_element_type3A = arith.extui %eq3A_8 : i1 to i32
    %cond3A = arith.constant 0 : i32
    %cond3A_9 = arith.cmpi ne, %convert_element_type3A, %cond3A : i32
    scf.if %cond3A_9 {
      "tpu.region"() ({
        %run_scoped3A = tpu.sem_alloc : memref<!tpu.dma_semaphore, #tpu.memory_space<semaphore_mem>>
        %dma_start3A = arith.constant 0 : i32
        %dma_start3A_30 = arith.constant 0 : i32
        %dma_start3A_31 = tpu.memref_slice %arg8[%dma_start3A, %dma_start3A_30] : memref<640x16xf32, #tpu.memory_space<vmem>> -> memref<16x16xf32, #tpu.memory_space<vmem>>
        %dma_start3A_32 = arith.constant 9984 : i32
        %dma_start3A_33 = arith.constant 0 : i32
        %dma_start3A_34 = tpu.memref_slice %arg5[%dma_start3A_32, %dma_start3A_33] : memref<10000x16xf32, #tpu.memory_space<vmem_shared>> -> memref<16x16xf32, #tpu.memory_space<vmem_shared>>
        %dma_start3A_35 = arith.constant 9984 : i32
        %dma_start3A_36 = arith.constant 0 : i32
        %dma_start3A_37 = tpu.memref_slice %arg5[%dma_start3A_35, %dma_start3A_36] : memref<10000x16xf32, #tpu.memory_space<vmem_shared>> -> memref<16x16xf32, #tpu.memory_space<vmem_shared>>
        %dma_start3A_38 = arith.constant 0 : i32
        %dma_start3A_39 = arith.constant 0 : i32
        %dma_start3A_40 = tpu.memref_slice %arg8[%dma_start3A_38, %dma_start3A_39] : memref<640x16xf32, #tpu.memory_space<vmem>> -> memref<16x16xf32, #tpu.memory_space<vmem>>
        tpu.enqueue_dma source(%dma_start3A_40 : memref<16x16xf32, #tpu.memory_space<vmem>>) target(%dma_start3A_37 : memref<16x16xf32, #tpu.memory_space<vmem_shared>>) target_semaphore(%run_scoped3A : memref<!tpu.dma_semaphore, #tpu.memory_space<semaphore_mem>>)
        %dma_wait3A = arith.constant 0 : i32
        %dma_wait3A_41 = arith.constant 0 : i32
        %dma_wait3A_42 = tpu.memref_slice %arg8[%dma_wait3A, %dma_wait3A_41] : memref<640x16xf32, #tpu.memory_space<vmem>> -> memref<16x16xf32, #tpu.memory_space<vmem>>
        %dma_wait3A_43 = arith.constant 9984 : i32
        %dma_wait3A_44 = arith.constant 0 : i32
        %dma_wait3A_45 = tpu.memref_slice %arg5[%dma_wait3A_43, %dma_wait3A_44] : memref<10000x16xf32, #tpu.memory_space<vmem_shared>> -> memref<16x16xf32, #tpu.memory_space<vmem_shared>>
        %dma_wait3A_46 = arith.constant 9984 : i32
        %dma_wait3A_47 = arith.constant 0 : i32
        %dma_wait3A_48 = tpu.memref_slice %arg5[%dma_wait3A_46, %dma_wait3A_47] : memref<10000x16xf32, #tpu.memory_space<vmem_shared>> -> memref<16x16xf32, #tpu.memory_space<vmem_shared>>
        %dma_wait3A_49 = arith.constant 0 : i32
        %dma_wait3A_50 = arith.constant 0 : i32
        %dma_wait3A_51 = tpu.memref_slice %arg8[%dma_wait3A_49, %dma_wait3A_50] : memref<640x16xf32, #tpu.memory_space<vmem>> -> memref<16x16xf32, #tpu.memory_space<vmem>>
        tpu.wait_dma2 semaphore(%run_scoped3A : memref<!tpu.dma_semaphore, #tpu.memory_space<semaphore_mem>>) src(%dma_wait3A_51 : memref<16x16xf32, #tpu.memory_space<vmem>>) dst(%dma_wait3A_48 : memref<16x16xf32, #tpu.memory_space<vmem_shared>>)
        tpu.yield
      }) : () -> ()
    } else {
    }
    %mul3A_10 = arith.constant 40 : i32
    %mul3A_11 = arith.muli %add3A, %mul3A_10 : i32
    "tpu.region"() ({
      %run_scoped3A = tpu.sem_alloc : memref<!tpu.dma_semaphore, #tpu.memory_space<semaphore_mem>>
      %dma_start3A = arith.constant 0 : i32
      %dma_start3A_30 = tpu.memref_slice %arg3[%mul3A_11, %dma_start3A] : memref<1280x125xi32, #tpu.memory_space<hbm>> -> memref<40x125xi32, #tpu.memory_space<hbm>>
      %dma_start3A_31 = arith.constant 0 : i32
      %dma_start3A_32 = tpu.memref_slice %arg3[%mul3A_11, %dma_start3A_31] : memref<1280x125xi32, #tpu.memory_space<hbm>> -> memref<40x125xi32, #tpu.memory_space<hbm>>
      tpu.enqueue_dma source(%dma_start3A_32 : memref<40x125xi32, #tpu.memory_space<hbm>>) target(%arg6 : memref<40x125xi32, #tpu.memory_space<vmem>>) target_semaphore(%run_scoped3A : memref<!tpu.dma_semaphore, #tpu.memory_space<semaphore_mem>>)
      %dma_wait3A = arith.constant 0 : i32
      %dma_wait3A_33 = tpu.memref_slice %arg3[%mul3A_11, %dma_wait3A] : memref<1280x125xi32, #tpu.memory_space<hbm>> -> memref<40x125xi32, #tpu.memory_space<hbm>>
      %dma_wait3A_34 = arith.constant 0 : i32
      %dma_wait3A_35 = tpu.memref_slice %arg3[%mul3A_11, %dma_wait3A_34] : memref<1280x125xi32, #tpu.memory_space<hbm>> -> memref<40x125xi32, #tpu.memory_space<hbm>>
      tpu.wait_dma2 semaphore(%run_scoped3A : memref<!tpu.dma_semaphore, #tpu.memory_space<semaphore_mem>>) src(%dma_wait3A_35 : memref<40x125xi32, #tpu.memory_space<hbm>>) dst(%arg6 : memref<40x125xi32, #tpu.memory_space<vmem>>)
      tpu.yield
    }) : () -> ()
    %mul3A_12 = arith.constant 5000 : i32
    %mul3A_13 = arith.muli %add3A, %mul3A_12 : i32
    "tpu.region"() ({
      %run_scoped3A = tpu.sem_alloc : memref<!tpu.dma_semaphore, #tpu.memory_space<semaphore_mem>>
      %dma_start3A = arith.constant 0 : i32
      %dma_start3A_30 = tpu.memref_slice %arg2[%mul3A_13, %dma_start3A] : memref<160000x16xf32, #tpu.memory_space<hbm>> -> memref<5000x16xf32, #tpu.memory_space<hbm>>
      %dma_start3A_31 = arith.constant 0 : i32
      %dma_start3A_32 = tpu.memref_slice %arg2[%mul3A_13, %dma_start3A_31] : memref<160000x16xf32, #tpu.memory_space<hbm>> -> memref<5000x16xf32, #tpu.memory_space<hbm>>
      tpu.enqueue_dma source(%dma_start3A_32 : memref<5000x16xf32, #tpu.memory_space<hbm>>) target(%arg7 : memref<5000x16xf32, #tpu.memory_space<vmem>>) target_semaphore(%run_scoped3A : memref<!tpu.dma_semaphore, #tpu.memory_space<semaphore_mem>>)
      %dma_wait3A = arith.constant 0 : i32
      %dma_wait3A_33 = tpu.memref_slice %arg2[%mul3A_13, %dma_wait3A] : memref<160000x16xf32, #tpu.memory_space<hbm>> -> memref<5000x16xf32, #tpu.memory_space<hbm>>
      %dma_wait3A_34 = arith.constant 0 : i32
      %dma_wait3A_35 = tpu.memref_slice %arg2[%mul3A_13, %dma_wait3A_34] : memref<160000x16xf32, #tpu.memory_space<hbm>> -> memref<5000x16xf32, #tpu.memory_space<hbm>>
      tpu.wait_dma2 semaphore(%run_scoped3A : memref<!tpu.dma_semaphore, #tpu.memory_space<semaphore_mem>>) src(%dma_wait3A_35 : memref<5000x16xf32, #tpu.memory_space<hbm>>) dst(%arg7 : memref<5000x16xf32, #tpu.memory_space<vmem>>)
      tpu.yield
    }) : () -> ()
    %barrier3A = arith.constant 0 : index
    tpu.barrier barrier_id(%barrier3A)
    %scan3A_14 = arith.constant 0 : i32
    %scan3A_15 = arith.constant 0 : i32
    %scan3A_16 = arith.constant 40 : i32
    %scan3A_17 = arith.addi %scan3A_15, %scan3A_16 : i32
    %scan3A_18 = arith.constant 1 : i32
    scf.for %scan3A_30 = %scan3A_15 to %scan3A_17 step %scan3A_18  : i32 {
      %mul3A_31 = arith.constant 125 : i32
      %mul3A_32 = arith.muli %scan3A_30, %mul3A_31 : i32
      "tpu.region"() ({
        %run_scoped3A = tpu.sem_alloc : memref<!tpu.dma_semaphore, #tpu.memory_space<semaphore_mem>>
        %dma_start3A = arith.constant 0 : i32
        %dma_start3A_33 = tpu.memref_slice %arg7[%mul3A_32, %dma_start3A] : memref<5000x16xf32, #tpu.memory_space<vmem>> -> memref<125x16xf32, #tpu.memory_space<vmem>>
        %dma_start3A_34 = arith.constant 0 : i32
        %dma_start3A_35 = tpu.memref_slice %arg6[%scan3A_30, %dma_start3A_34] : memref<40x125xi32, #tpu.memory_space<vmem>> -> memref<1x125xi32, #tpu.memory_space<vmem>>
        %dma_start3A_36 = tpu.memref_squeeze %dma_start3A_35 : memref<1x125xi32, #tpu.memory_space<vmem>> -> memref<125xi32, #tpu.memory_space<vmem>>
        %dma_start3A_37 = arith.constant 0 : i32
        %dma_start3A_38 = arith.constant 0 : i32
        %dma_start3A_39 = tpu.memref_slice %arg5[%dma_start3A_37, %dma_start3A_38] : memref<10000x16xf32, #tpu.memory_space<vmem_shared>> -> memref<10000x16xf32, #tpu.memory_space<vmem_shared>>
        tpu.enqueue_indirect_dma source(%dma_start3A_33 : memref<125x16xf32, #tpu.memory_space<vmem>>) target(%dma_start3A_39 : memref<10000x16xf32, #tpu.memory_space<vmem_shared>>) offsets(%dma_start3A_36 : memref<125xi32, #tpu.memory_space<vmem>>) semaphore(%run_scoped3A : memref<!tpu.dma_semaphore, #tpu.memory_space<semaphore_mem>>) {add = true}
        %dma_wait3A = arith.constant 0 : i32
        %dma_wait3A_40 = tpu.memref_slice %arg7[%mul3A_32, %dma_wait3A] : memref<5000x16xf32, #tpu.memory_space<vmem>> -> memref<125x16xf32, #tpu.memory_space<vmem>>
        %dma_wait3A_41 = arith.constant 0 : i32
        %dma_wait3A_42 = tpu.memref_slice %arg6[%scan3A_30, %dma_wait3A_41] : memref<40x125xi32, #tpu.memory_space<vmem>> -> memref<1x125xi32, #tpu.memory_space<vmem>>
        %dma_wait3A_43 = tpu.memref_squeeze %dma_wait3A_42 : memref<1x125xi32, #tpu.memory_space<vmem>> -> memref<125xi32, #tpu.memory_space<vmem>>
        %dma_wait3A_44 = arith.constant 0 : i32
        %dma_wait3A_45 = arith.constant 0 : i32
        %dma_wait3A_46 = tpu.memref_slice %arg5[%dma_wait3A_44, %dma_wait3A_45] : memref<10000x16xf32, #tpu.memory_space<vmem_shared>> -> memref<10000x16xf32, #tpu.memory_space<vmem_shared>>
        tpu.wait_indirect_dma semaphore(%run_scoped3A : memref<!tpu.dma_semaphore, #tpu.memory_space<semaphore_mem>>) src(%dma_wait3A_40 : memref<125x16xf32, #tpu.memory_space<vmem>>) dst(%dma_wait3A_46 : memref<10000x16xf32, #tpu.memory_space<vmem_shared>>)
        tpu.yield
      }) : () -> ()
    }
    %scan3A_19 = arith.constant 40 : i32
    %barrier3A_20 = arith.constant 0 : index
    tpu.barrier barrier_id(%barrier3A_20)
    %mul3A_21 = arith.constant 624 : i32
    %mul3A_22 = arith.muli %arg1, %mul3A_21 : i32
    %mul3A_23 = arith.constant 624 : i32
    %mul3A_24 = arith.muli %arg1, %mul3A_23 : i32
    "tpu.region"() ({
      %run_scoped3A = tpu.sem_alloc : memref<!tpu.dma_semaphore, #tpu.memory_space<semaphore_mem>>
      %dma_start3A = arith.constant 0 : i32
      %dma_start3A_30 = arith.constant 0 : i32
      %dma_start3A_31 = tpu.memref_slice %arg4[%arg0, %dma_start3A, %dma_start3A_30] : memref<2x10000x16xf32, #tpu.memory_space<hbm>> -> memref<1x10000x16xf32, #tpu.memory_space<hbm>>
      %dma_start3A_32 = tpu.memref_squeeze %dma_start3A_31 : memref<1x10000x16xf32, #tpu.memory_space<hbm>> -> memref<10000x16xf32, #tpu.memory_space<hbm>>
      %dma_start3A_33 = arith.constant 0 : i32
      %dma_start3A_34 = tpu.memref_slice %dma_start3A_32[%mul3A_24, %dma_start3A_33] : memref<10000x16xf32, #tpu.memory_space<hbm>> -> memref<624x16xf32, #tpu.memory_space<hbm>>
      %dma_start3A_35 = arith.constant 0 : i32
      %dma_start3A_36 = tpu.memref_slice %arg5[%mul3A_22, %dma_start3A_35] : memref<10000x16xf32, #tpu.memory_space<vmem_shared>> -> memref<624x16xf32, #tpu.memory_space<vmem_shared>>
      tpu.enqueue_dma source(%dma_start3A_36 : memref<624x16xf32, #tpu.memory_space<vmem_shared>>) target(%dma_start3A_34 : memref<624x16xf32, #tpu.memory_space<hbm>>) target_semaphore(%run_scoped3A : memref<!tpu.dma_semaphore, #tpu.memory_space<semaphore_mem>>)
      %dma_wait3A = arith.constant 0 : i32
      %dma_wait3A_37 = arith.constant 0 : i32
      %dma_wait3A_38 = tpu.memref_slice %arg4[%arg0, %dma_wait3A, %dma_wait3A_37] : memref<2x10000x16xf32, #tpu.memory_space<hbm>> -> memref<1x10000x16xf32, #tpu.memory_space<hbm>>
      %dma_wait3A_39 = tpu.memref_squeeze %dma_wait3A_38 : memref<1x10000x16xf32, #tpu.memory_space<hbm>> -> memref<10000x16xf32, #tpu.memory_space<hbm>>
      %dma_wait3A_40 = arith.constant 0 : i32
      %dma_wait3A_41 = tpu.memref_slice %dma_wait3A_39[%mul3A_24, %dma_wait3A_40] : memref<10000x16xf32, #tpu.memory_space<hbm>> -> memref<624x16xf32, #tpu.memory_space<hbm>>
      %dma_wait3A_42 = arith.constant 0 : i32
      %dma_wait3A_43 = tpu.memref_slice %arg5[%mul3A_22, %dma_wait3A_42] : memref<10000x16xf32, #tpu.memory_space<vmem_shared>> -> memref<624x16xf32, #tpu.memory_space<vmem_shared>>
      tpu.wait_dma2 semaphore(%run_scoped3A : memref<!tpu.dma_semaphore, #tpu.memory_space<semaphore_mem>>) src(%dma_wait3A_43 : memref<624x16xf32, #tpu.memory_space<vmem_shared>>) dst(%dma_wait3A_41 : memref<624x16xf32, #tpu.memory_space<hbm>>)
      tpu.yield
    }) : () -> ()
    %eq3A_25 = arith.constant 15 : i32
    %eq3A_26 = arith.cmpi eq, %arg1, %eq3A_25 : i32
    %convert_element_type3A_27 = arith.extui %eq3A_26 : i1 to i32
    %cond3A_28 = arith.constant 0 : i32
    %cond3A_29 = arith.cmpi ne, %convert_element_type3A_27, %cond3A_28 : i32
    scf.if %cond3A_29 {
      "tpu.region"() ({
        %run_scoped3A = tpu.sem_alloc : memref<!tpu.dma_semaphore, #tpu.memory_space<semaphore_mem>>
        %dma_start3A = arith.constant 0 : i32
        %dma_start3A_30 = arith.constant 0 : i32
        %dma_start3A_31 = tpu.memref_slice %arg4[%arg0, %dma_start3A, %dma_start3A_30] : memref<2x10000x16xf32, #tpu.memory_space<hbm>> -> memref<1x10000x16xf32, #tpu.memory_space<hbm>>
        %dma_start3A_32 = tpu.memref_squeeze %dma_start3A_31 : memref<1x10000x16xf32, #tpu.memory_space<hbm>> -> memref<10000x16xf32, #tpu.memory_space<hbm>>
        %dma_start3A_33 = arith.constant 9984 : i32
        %dma_start3A_34 = arith.constant 0 : i32
        %dma_start3A_35 = tpu.memref_slice %dma_start3A_32[%dma_start3A_33, %dma_start3A_34] : memref<10000x16xf32, #tpu.memory_space<hbm>> -> memref<16x16xf32, #tpu.memory_space<hbm>>
        %dma_start3A_36 = arith.constant 9984 : i32
        %dma_start3A_37 = arith.constant 0 : i32
        %dma_start3A_38 = tpu.memref_slice %arg5[%dma_start3A_36, %dma_start3A_37] : memref<10000x16xf32, #tpu.memory_space<vmem_shared>> -> memref<16x16xf32, #tpu.memory_space<vmem_shared>>
        tpu.enqueue_dma source(%dma_start3A_38 : memref<16x16xf32, #tpu.memory_space<vmem_shared>>) target(%dma_start3A_35 : memref<16x16xf32, #tpu.memory_space<hbm>>) target_semaphore(%run_scoped3A : memref<!tpu.dma_semaphore, #tpu.memory_space<semaphore_mem>>)
        %dma_wait3A = arith.constant 0 : i32
        %dma_wait3A_39 = arith.constant 0 : i32
        %dma_wait3A_40 = tpu.memref_slice %arg4[%arg0, %dma_wait3A, %dma_wait3A_39] : memref<2x10000x16xf32, #tpu.memory_space<hbm>> -> memref<1x10000x16xf32, #tpu.memory_space<hbm>>
        %dma_wait3A_41 = tpu.memref_squeeze %dma_wait3A_40 : memref<1x10000x16xf32, #tpu.memory_space<hbm>> -> memref<10000x16xf32, #tpu.memory_space<hbm>>
        %dma_wait3A_42 = arith.constant 9984 : i32
        %dma_wait3A_43 = arith.constant 0 : i32
        %dma_wait3A_44 = tpu.memref_slice %dma_wait3A_41[%dma_wait3A_42, %dma_wait3A_43] : memref<10000x16xf32, #tpu.memory_space<hbm>> -> memref<16x16xf32, #tpu.memory_space<hbm>>
        %dma_wait3A_45 = arith.constant 9984 : i32
        %dma_wait3A_46 = arith.constant 0 : i32
        %dma_wait3A_47 = tpu.memref_slice %arg5[%dma_wait3A_45, %dma_wait3A_46] : memref<10000x16xf32, #tpu.memory_space<vmem_shared>> -> memref<16x16xf32, #tpu.memory_space<vmem_shared>>
        tpu.wait_dma2 semaphore(%run_scoped3A : memref<!tpu.dma_semaphore, #tpu.memory_space<semaphore_mem>>) src(%dma_wait3A_47 : memref<16x16xf32, #tpu.memory_space<vmem_shared>>) dst(%dma_wait3A_44 : memref<16x16xf32, #tpu.memory_space<hbm>>)
        tpu.yield
      }) : () -> ()
    } else {
    }
    return
  }
}

module attributes {stable_mosaic.version = 14 : i64} {
  func.func @_edge_body(%arg0: i32, %arg1: memref<16x6400xf32, #tpu.memory_space<vmem>>, %arg2: memref<1600x128xf32, #tpu.memory_space<vmem>>, %arg3: memref<16x64xf32, #tpu.memory_space<vmem>>, %arg4: memref<1x64xf32, #tpu.memory_space<vmem>>, %arg5: memref<64x512xf32, #tpu.memory_space<vmem>>, %arg6: memref<1x512xf32, #tpu.memory_space<vmem>>, %arg7: memref<4x128x512xf32, #tpu.memory_space<vmem>>, %arg8: memref<8x128x128xf32, #tpu.memory_space<vmem>>, %arg9: memref<800x128xf32, #tpu.memory_space<vmem>>) attributes {dimension_semantics = [#tpu.dimension_semantics<arbitrary>], iteration_bounds = array<i64: 25>, scalar_prefetch = 0 : i64, scratch_operands = 0 : i64, tpu.core_type = #tpu.core_type<tc>, window_params = [{transform_indices = @transform_0, window_bounds = array<i64: 16, 6400>}, {transform_indices = @transform_1, window_bounds = array<i64: 1600, 128>}, {pipeline_mode = #tpu.pipeline_mode<synchronous>, transform_indices = @transform_2, window_bounds = array<i64: 16, 64>}, {pipeline_mode = #tpu.pipeline_mode<synchronous>, transform_indices = @transform_3, window_bounds = array<i64: 1, 64>}, {pipeline_mode = #tpu.pipeline_mode<synchronous>, transform_indices = @transform_4, window_bounds = array<i64: 64, 512>}, {pipeline_mode = #tpu.pipeline_mode<synchronous>, transform_indices = @transform_5, window_bounds = array<i64: 1, 512>}, {pipeline_mode = #tpu.pipeline_mode<synchronous>, transform_indices = @transform_6, window_bounds = array<i64: 4, 128, 512>}, {pipeline_mode = #tpu.pipeline_mode<synchronous>, transform_indices = @transform_7, window_bounds = array<i64: 8, 128, 128>}, {transform_indices = @transform_8, window_bounds = array<i64: 800, 128>}]} {
    %get3A = arith.constant 0 : index
    %get3A_0 = arith.constant 0 : index
    %get3A_1 = vector.load %arg1[%get3A, %get3A_0] : memref<16x6400xf32, #tpu.memory_space<vmem>>, vector<16x6400xf32>
    %get3A_2 = arith.constant 0 : index
    %get3A_3 = arith.constant 0 : index
    %get3A_4 = vector.load %arg3[%get3A_2, %get3A_3] : memref<16x64xf32, #tpu.memory_space<vmem>>, vector<16x64xf32>
    %dot_general3A = arith.constant dense<0.000000e+00> : vector<6400x64xf32>
    %dot_general3A_5 = tpu.matmul %get3A_1, %get3A_4, %dot_general3A {dimension_numbers = #tpu.dot_dimension_numbers<[0], [0], [1], [1], [0, 1, 1, 1], [], []>, transpose_lhs_hint = false} : vector<16x6400xf32>, vector<16x64xf32>, vector<6400x64xf32> -> vector<6400x64xf32>
    %get3A_6 = arith.constant 0 : index
    %get3A_7 = arith.constant 0 : index
    %get3A_8 = vector.load %arg4[%get3A_6, %get3A_7] : memref<1x64xf32, #tpu.memory_space<vmem>>, vector<1x64xf32>
    %add3A = vector.broadcast %get3A_8 : vector<1x64xf32> to vector<6400x64xf32>
    %add3A_9 = arith.addf %dot_general3A_5, %add3A : vector<6400x64xf32>
    %max3A = arith.constant 0.000000e+00 : f32
    %max3A_10 = vector.broadcast %max3A : f32 to vector<6400x64xf32>
    %max3A_11 = arith.maximumf %add3A_9, %max3A_10 : vector<6400x64xf32>
    %get3A_12 = arith.constant 0 : index
    %get3A_13 = arith.constant 0 : index
    %get3A_14 = vector.load %arg5[%get3A_12, %get3A_13] : memref<64x512xf32, #tpu.memory_space<vmem>>, vector<64x512xf32>
    %dot_general3A_15 = arith.constant dense<0.000000e+00> : vector<6400x512xf32>
    %dot_general3A_16 = tpu.matmul %max3A_11, %get3A_14, %dot_general3A_15 {dimension_numbers = #tpu.dot_dimension_numbers<[1], [0], [0], [1], [0, 0, 1, 1], [], []>, transpose_lhs_hint = false} : vector<6400x64xf32>, vector<64x512xf32>, vector<6400x512xf32> -> vector<6400x512xf32>
    %get3A_17 = arith.constant 0 : index
    %get3A_18 = arith.constant 0 : index
    %get3A_19 = vector.load %arg6[%get3A_17, %get3A_18] : memref<1x512xf32, #tpu.memory_space<vmem>>, vector<1x512xf32>
    %add3A_20 = vector.broadcast %get3A_19 : vector<1x512xf32> to vector<6400x512xf32>
    %add3A_21 = arith.addf %dot_general3A_16, %add3A_20 : vector<6400x512xf32>
    %get3A_22 = arith.constant 0 : index
    %get3A_23 = arith.constant 0 : index
    %get3A_24 = vector.load %arg2[%get3A_22, %get3A_23] : memref<1600x128xf32, #tpu.memory_space<vmem>>, vector<1600x128xf32>
    %get3A_25 = arith.constant 0 : index
    %get3A_26 = arith.constant 0 : index
    %get3A_27 = arith.constant 0 : index
    %get3A_28 = vector.load %arg7[%get3A_25, %get3A_26, %get3A_27] : memref<4x128x512xf32, #tpu.memory_space<vmem>>, vector<1x128x512xf32>
    %get3A_29 = vector.shape_cast %get3A_28 : vector<1x128x512xf32> to vector<128x512xf32>
    %dot_general3A_30 = arith.constant dense<0.000000e+00> : vector<1600x512xf32>
    %dot_general3A_31 = tpu.matmul %get3A_24, %get3A_29, %dot_general3A_30 {dimension_numbers = #tpu.dot_dimension_numbers<[1], [0], [0], [1], [0, 0, 1, 1], [], []>, transpose_lhs_hint = false} : vector<1600x128xf32>, vector<128x512xf32>, vector<1600x512xf32> -> vector<1600x512xf32>
    %slice3A = vector.extract_strided_slice %add3A_21 {offsets = [0, 0], sizes = [1600, 512], strides = [1, 1]} : vector<6400x512xf32> to vector<1600x512xf32>
    %mul3A = arith.mulf %dot_general3A_31, %slice3A : vector<1600x512xf32>
    %slice3A_32 = vector.extract_strided_slice %mul3A {offsets = [0, 0], sizes = [1600, 128], strides = [1, 1]} : vector<1600x512xf32> to vector<1600x128xf32>
    %slice3A_33 = vector.extract_strided_slice %mul3A {offsets = [0, 128], sizes = [1600, 128], strides = [1, 1]} : vector<1600x512xf32> to vector<1600x128xf32>
    %add3A_34 = arith.addf %slice3A_32, %slice3A_33 : vector<1600x128xf32>
    %slice3A_35 = vector.extract_strided_slice %mul3A {offsets = [0, 256], sizes = [1600, 128], strides = [1, 1]} : vector<1600x512xf32> to vector<1600x128xf32>
    %add3A_36 = arith.addf %add3A_34, %slice3A_35 : vector<1600x128xf32>
    %slice3A_37 = vector.extract_strided_slice %mul3A {offsets = [0, 384], sizes = [1600, 128], strides = [1, 1]} : vector<1600x512xf32> to vector<1600x128xf32>
    %add3A_38 = arith.addf %add3A_36, %slice3A_37 : vector<1600x128xf32>
    %slice3A_39 = vector.extract_strided_slice %add3A_38 {offsets = [0, 0], sizes = [800, 128], strides = [1, 1]} : vector<1600x128xf32> to vector<800x128xf32>
    %get3A_40 = arith.constant 0 : index
    %get3A_41 = arith.constant 0 : index
    %get3A_42 = arith.constant 0 : index
    %get3A_43 = vector.load %arg8[%get3A_40, %get3A_41, %get3A_42] : memref<8x128x128xf32, #tpu.memory_space<vmem>>, vector<1x128x128xf32>
    %get3A_44 = vector.shape_cast %get3A_43 : vector<1x128x128xf32> to vector<128x128xf32>
    %dot_general3A_45 = arith.constant dense<0.000000e+00> : vector<800x128xf32>
    %dot_general3A_46 = tpu.matmul %slice3A_39, %get3A_44, %dot_general3A_45 {dimension_numbers = #tpu.dot_dimension_numbers<[1], [0], [0], [1], [0, 0, 1, 1], [], []>, transpose_lhs_hint = false} : vector<800x128xf32>, vector<128x128xf32>, vector<800x128xf32> -> vector<800x128xf32>
    %slice3A_47 = vector.extract_strided_slice %add3A_38 {offsets = [800, 0], sizes = [800, 128], strides = [1, 1]} : vector<1600x128xf32> to vector<800x128xf32>
    %get3A_48 = arith.constant 1 : index
    %get3A_49 = arith.constant 0 : index
    %get3A_50 = arith.constant 0 : index
    %get3A_51 = vector.load %arg8[%get3A_48, %get3A_49, %get3A_50] : memref<8x128x128xf32, #tpu.memory_space<vmem>>, vector<1x128x128xf32>
    %get3A_52 = vector.shape_cast %get3A_51 : vector<1x128x128xf32> to vector<128x128xf32>
    %dot_general3A_53 = arith.constant dense<0.000000e+00> : vector<800x128xf32>
    %dot_general3A_54 = tpu.matmul %slice3A_47, %get3A_52, %dot_general3A_53 {dimension_numbers = #tpu.dot_dimension_numbers<[1], [0], [0], [1], [0, 0, 1, 1], [], []>, transpose_lhs_hint = false} : vector<800x128xf32>, vector<128x128xf32>, vector<800x128xf32> -> vector<800x128xf32>
    %add3A_55 = arith.addf %dot_general3A_46, %dot_general3A_54 : vector<800x128xf32>
    %get3A_56 = arith.constant 1 : index
    %get3A_57 = arith.constant 0 : index
    %get3A_58 = arith.constant 0 : index
    %get3A_59 = vector.load %arg7[%get3A_56, %get3A_57, %get3A_58] : memref<4x128x512xf32, #tpu.memory_space<vmem>>, vector<1x128x512xf32>
    %get3A_60 = vector.shape_cast %get3A_59 : vector<1x128x512xf32> to vector<128x512xf32>
    %dot_general3A_61 = arith.constant dense<0.000000e+00> : vector<1600x512xf32>
    %dot_general3A_62 = tpu.matmul %get3A_24, %get3A_60, %dot_general3A_61 {dimension_numbers = #tpu.dot_dimension_numbers<[1], [0], [0], [1], [0, 0, 1, 1], [], []>, transpose_lhs_hint = false} : vector<1600x128xf32>, vector<128x512xf32>, vector<1600x512xf32> -> vector<1600x512xf32>
    %slice3A_63 = vector.extract_strided_slice %add3A_21 {offsets = [1600, 0], sizes = [1600, 512], strides = [1, 1]} : vector<6400x512xf32> to vector<1600x512xf32>
    %mul3A_64 = arith.mulf %dot_general3A_62, %slice3A_63 : vector<1600x512xf32>
    %slice3A_65 = vector.extract_strided_slice %mul3A_64 {offsets = [0, 0], sizes = [1600, 128], strides = [1, 1]} : vector<1600x512xf32> to vector<1600x128xf32>
    %slice3A_66 = vector.extract_strided_slice %mul3A_64 {offsets = [0, 128], sizes = [1600, 128], strides = [1, 1]} : vector<1600x512xf32> to vector<1600x128xf32>
    %add3A_67 = arith.addf %slice3A_65, %slice3A_66 : vector<1600x128xf32>
    %slice3A_68 = vector.extract_strided_slice %mul3A_64 {offsets = [0, 256], sizes = [1600, 128], strides = [1, 1]} : vector<1600x512xf32> to vector<1600x128xf32>
    %add3A_69 = arith.addf %add3A_67, %slice3A_68 : vector<1600x128xf32>
    %slice3A_70 = vector.extract_strided_slice %mul3A_64 {offsets = [0, 384], sizes = [1600, 128], strides = [1, 1]} : vector<1600x512xf32> to vector<1600x128xf32>
    %add3A_71 = arith.addf %add3A_69, %slice3A_70 : vector<1600x128xf32>
    %slice3A_72 = vector.extract_strided_slice %add3A_71 {offsets = [0, 0], sizes = [800, 128], strides = [1, 1]} : vector<1600x128xf32> to vector<800x128xf32>
    %get3A_73 = arith.constant 2 : index
    %get3A_74 = arith.constant 0 : index
    %get3A_75 = arith.constant 0 : index
    %get3A_76 = vector.load %arg8[%get3A_73, %get3A_74, %get3A_75] : memref<8x128x128xf32, #tpu.memory_space<vmem>>, vector<1x128x128xf32>
    %get3A_77 = vector.shape_cast %get3A_76 : vector<1x128x128xf32> to vector<128x128xf32>
    %dot_general3A_78 = arith.constant dense<0.000000e+00> : vector<800x128xf32>
    %dot_general3A_79 = tpu.matmul %slice3A_72, %get3A_77, %dot_general3A_78 {dimension_numbers = #tpu.dot_dimension_numbers<[1], [0], [0], [1], [0, 0, 1, 1], [], []>, transpose_lhs_hint = false} : vector<800x128xf32>, vector<128x128xf32>, vector<800x128xf32> -> vector<800x128xf32>
    %add3A_80 = arith.addf %add3A_55, %dot_general3A_79 : vector<800x128xf32>
    %slice3A_81 = vector.extract_strided_slice %add3A_71 {offsets = [800, 0], sizes = [800, 128], strides = [1, 1]} : vector<1600x128xf32> to vector<800x128xf32>
    %get3A_82 = arith.constant 3 : index
    %get3A_83 = arith.constant 0 : index
    %get3A_84 = arith.constant 0 : index
    %get3A_85 = vector.load %arg8[%get3A_82, %get3A_83, %get3A_84] : memref<8x128x128xf32, #tpu.memory_space<vmem>>, vector<1x128x128xf32>
    %get3A_86 = vector.shape_cast %get3A_85 : vector<1x128x128xf32> to vector<128x128xf32>
    %dot_general3A_87 = arith.constant dense<0.000000e+00> : vector<800x128xf32>
    %dot_general3A_88 = tpu.matmul %slice3A_81, %get3A_86, %dot_general3A_87 {dimension_numbers = #tpu.dot_dimension_numbers<[1], [0], [0], [1], [0, 0, 1, 1], [], []>, transpose_lhs_hint = false} : vector<800x128xf32>, vector<128x128xf32>, vector<800x128xf32> -> vector<800x128xf32>
    %add3A_89 = arith.addf %add3A_80, %dot_general3A_88 : vector<800x128xf32>
    %get3A_90 = arith.constant 2 : index
    %get3A_91 = arith.constant 0 : index
    %get3A_92 = arith.constant 0 : index
    %get3A_93 = vector.load %arg7[%get3A_90, %get3A_91, %get3A_92] : memref<4x128x512xf32, #tpu.memory_space<vmem>>, vector<1x128x512xf32>
    %get3A_94 = vector.shape_cast %get3A_93 : vector<1x128x512xf32> to vector<128x512xf32>
    %dot_general3A_95 = arith.constant dense<0.000000e+00> : vector<1600x512xf32>
    %dot_general3A_96 = tpu.matmul %get3A_24, %get3A_94, %dot_general3A_95 {dimension_numbers = #tpu.dot_dimension_numbers<[1], [0], [0], [1], [0, 0, 1, 1], [], []>, transpose_lhs_hint = false} : vector<1600x128xf32>, vector<128x512xf32>, vector<1600x512xf32> -> vector<1600x512xf32>
    %slice3A_97 = vector.extract_strided_slice %add3A_21 {offsets = [3200, 0], sizes = [1600, 512], strides = [1, 1]} : vector<6400x512xf32> to vector<1600x512xf32>
    %mul3A_98 = arith.mulf %dot_general3A_96, %slice3A_97 : vector<1600x512xf32>
    %slice3A_99 = vector.extract_strided_slice %mul3A_98 {offsets = [0, 0], sizes = [1600, 128], strides = [1, 1]} : vector<1600x512xf32> to vector<1600x128xf32>
    %slice3A_100 = vector.extract_strided_slice %mul3A_98 {offsets = [0, 128], sizes = [1600, 128], strides = [1, 1]} : vector<1600x512xf32> to vector<1600x128xf32>
    %add3A_101 = arith.addf %slice3A_99, %slice3A_100 : vector<1600x128xf32>
    %slice3A_102 = vector.extract_strided_slice %mul3A_98 {offsets = [0, 256], sizes = [1600, 128], strides = [1, 1]} : vector<1600x512xf32> to vector<1600x128xf32>
    %add3A_103 = arith.addf %add3A_101, %slice3A_102 : vector<1600x128xf32>
    %slice3A_104 = vector.extract_strided_slice %mul3A_98 {offsets = [0, 384], sizes = [1600, 128], strides = [1, 1]} : vector<1600x512xf32> to vector<1600x128xf32>
    %add3A_105 = arith.addf %add3A_103, %slice3A_104 : vector<1600x128xf32>
    %slice3A_106 = vector.extract_strided_slice %add3A_105 {offsets = [0, 0], sizes = [800, 128], strides = [1, 1]} : vector<1600x128xf32> to vector<800x128xf32>
    %get3A_107 = arith.constant 4 : index
    %get3A_108 = arith.constant 0 : index
    %get3A_109 = arith.constant 0 : index
    %get3A_110 = vector.load %arg8[%get3A_107, %get3A_108, %get3A_109] : memref<8x128x128xf32, #tpu.memory_space<vmem>>, vector<1x128x128xf32>
    %get3A_111 = vector.shape_cast %get3A_110 : vector<1x128x128xf32> to vector<128x128xf32>
    %dot_general3A_112 = arith.constant dense<0.000000e+00> : vector<800x128xf32>
    %dot_general3A_113 = tpu.matmul %slice3A_106, %get3A_111, %dot_general3A_112 {dimension_numbers = #tpu.dot_dimension_numbers<[1], [0], [0], [1], [0, 0, 1, 1], [], []>, transpose_lhs_hint = false} : vector<800x128xf32>, vector<128x128xf32>, vector<800x128xf32> -> vector<800x128xf32>
    %add3A_114 = arith.addf %add3A_89, %dot_general3A_113 : vector<800x128xf32>
    %slice3A_115 = vector.extract_strided_slice %add3A_105 {offsets = [800, 0], sizes = [800, 128], strides = [1, 1]} : vector<1600x128xf32> to vector<800x128xf32>
    %get3A_116 = arith.constant 5 : index
    %get3A_117 = arith.constant 0 : index
    %get3A_118 = arith.constant 0 : index
    %get3A_119 = vector.load %arg8[%get3A_116, %get3A_117, %get3A_118] : memref<8x128x128xf32, #tpu.memory_space<vmem>>, vector<1x128x128xf32>
    %get3A_120 = vector.shape_cast %get3A_119 : vector<1x128x128xf32> to vector<128x128xf32>
    %dot_general3A_121 = arith.constant dense<0.000000e+00> : vector<800x128xf32>
    %dot_general3A_122 = tpu.matmul %slice3A_115, %get3A_120, %dot_general3A_121 {dimension_numbers = #tpu.dot_dimension_numbers<[1], [0], [0], [1], [0, 0, 1, 1], [], []>, transpose_lhs_hint = false} : vector<800x128xf32>, vector<128x128xf32>, vector<800x128xf32> -> vector<800x128xf32>
    %add3A_123 = arith.addf %add3A_114, %dot_general3A_122 : vector<800x128xf32>
    %get3A_124 = arith.constant 3 : index
    %get3A_125 = arith.constant 0 : index
    %get3A_126 = arith.constant 0 : index
    %get3A_127 = vector.load %arg7[%get3A_124, %get3A_125, %get3A_126] : memref<4x128x512xf32, #tpu.memory_space<vmem>>, vector<1x128x512xf32>
    %get3A_128 = vector.shape_cast %get3A_127 : vector<1x128x512xf32> to vector<128x512xf32>
    %dot_general3A_129 = arith.constant dense<0.000000e+00> : vector<1600x512xf32>
    %dot_general3A_130 = tpu.matmul %get3A_24, %get3A_128, %dot_general3A_129 {dimension_numbers = #tpu.dot_dimension_numbers<[1], [0], [0], [1], [0, 0, 1, 1], [], []>, transpose_lhs_hint = false} : vector<1600x128xf32>, vector<128x512xf32>, vector<1600x512xf32> -> vector<1600x512xf32>
    %slice3A_131 = vector.extract_strided_slice %add3A_21 {offsets = [4800, 0], sizes = [1600, 512], strides = [1, 1]} : vector<6400x512xf32> to vector<1600x512xf32>
    %mul3A_132 = arith.mulf %dot_general3A_130, %slice3A_131 : vector<1600x512xf32>
    %slice3A_133 = vector.extract_strided_slice %mul3A_132 {offsets = [0, 0], sizes = [1600, 128], strides = [1, 1]} : vector<1600x512xf32> to vector<1600x128xf32>
    %slice3A_134 = vector.extract_strided_slice %mul3A_132 {offsets = [0, 128], sizes = [1600, 128], strides = [1, 1]} : vector<1600x512xf32> to vector<1600x128xf32>
    %add3A_135 = arith.addf %slice3A_133, %slice3A_134 : vector<1600x128xf32>
    %slice3A_136 = vector.extract_strided_slice %mul3A_132 {offsets = [0, 256], sizes = [1600, 128], strides = [1, 1]} : vector<1600x512xf32> to vector<1600x128xf32>
    %add3A_137 = arith.addf %add3A_135, %slice3A_136 : vector<1600x128xf32>
    %slice3A_138 = vector.extract_strided_slice %mul3A_132 {offsets = [0, 384], sizes = [1600, 128], strides = [1, 1]} : vector<1600x512xf32> to vector<1600x128xf32>
    %add3A_139 = arith.addf %add3A_137, %slice3A_138 : vector<1600x128xf32>
    %slice3A_140 = vector.extract_strided_slice %add3A_139 {offsets = [0, 0], sizes = [800, 128], strides = [1, 1]} : vector<1600x128xf32> to vector<800x128xf32>
    %get3A_141 = arith.constant 6 : index
    %get3A_142 = arith.constant 0 : index
    %get3A_143 = arith.constant 0 : index
    %get3A_144 = vector.load %arg8[%get3A_141, %get3A_142, %get3A_143] : memref<8x128x128xf32, #tpu.memory_space<vmem>>, vector<1x128x128xf32>
    %get3A_145 = vector.shape_cast %get3A_144 : vector<1x128x128xf32> to vector<128x128xf32>
    %dot_general3A_146 = arith.constant dense<0.000000e+00> : vector<800x128xf32>
    %dot_general3A_147 = tpu.matmul %slice3A_140, %get3A_145, %dot_general3A_146 {dimension_numbers = #tpu.dot_dimension_numbers<[1], [0], [0], [1], [0, 0, 1, 1], [], []>, transpose_lhs_hint = false} : vector<800x128xf32>, vector<128x128xf32>, vector<800x128xf32> -> vector<800x128xf32>
    %add3A_148 = arith.addf %add3A_123, %dot_general3A_147 : vector<800x128xf32>
    %slice3A_149 = vector.extract_strided_slice %add3A_139 {offsets = [800, 0], sizes = [800, 128], strides = [1, 1]} : vector<1600x128xf32> to vector<800x128xf32>
    %get3A_150 = arith.constant 7 : index
    %get3A_151 = arith.constant 0 : index
    %get3A_152 = arith.constant 0 : index
    %get3A_153 = vector.load %arg8[%get3A_150, %get3A_151, %get3A_152] : memref<8x128x128xf32, #tpu.memory_space<vmem>>, vector<1x128x128xf32>
    %get3A_154 = vector.shape_cast %get3A_153 : vector<1x128x128xf32> to vector<128x128xf32>
    %dot_general3A_155 = arith.constant dense<0.000000e+00> : vector<800x128xf32>
    %dot_general3A_156 = tpu.matmul %slice3A_149, %get3A_154, %dot_general3A_155 {dimension_numbers = #tpu.dot_dimension_numbers<[1], [0], [0], [1], [0, 0, 1, 1], [], []>, transpose_lhs_hint = false} : vector<800x128xf32>, vector<128x128xf32>, vector<800x128xf32> -> vector<800x128xf32>
    %add3A_157 = arith.addf %add3A_148, %dot_general3A_156 : vector<800x128xf32>
    %swap3A = arith.constant 0 : index
    %swap3A_158 = arith.constant 0 : index
    %swap3A_159 = vector.load %arg9[%swap3A, %swap3A_158] : memref<800x128xf32, #tpu.memory_space<vmem>>, vector<800x128xf32>
    tpu.vector_store %arg9[%swap3A, %swap3A_158], %add3A_157 {strides = array<i32>} : memref<800x128xf32, #tpu.memory_space<vmem>>, vector<800x128xf32>,
    return
  }
  func.func @transform_0(%arg0: i32) -> (i32, i32) {
    %c0_i32 = arith.constant 0 : i32
    %c0_i32_0 = arith.constant 0 : i32
    return %c0_i32, %arg0 : i32, i32
  }
  func.func @transform_1(%arg0: i32) -> (i32, i32) {
    %c0_i32 = arith.constant 0 : i32
    %c0_i32_0 = arith.constant 0 : i32
    return %arg0, %c0_i32 : i32, i32
  }
  func.func @transform_2(%arg0: i32) -> (i32, i32) {
    %c0_i32 = arith.constant 0 : i32
    %c0_i32_0 = arith.constant 0 : i32
    %c0_i32_1 = arith.constant 0 : i32
    return %c0_i32, %c0_i32_0 : i32, i32
  }
  func.func @transform_3(%arg0: i32) -> (i32, i32) {
    %c0_i32 = arith.constant 0 : i32
    %c0_i32_0 = arith.constant 0 : i32
    %c0_i32_1 = arith.constant 0 : i32
    return %c0_i32, %c0_i32_0 : i32, i32
  }
  func.func @transform_4(%arg0: i32) -> (i32, i32) {
    %c0_i32 = arith.constant 0 : i32
    %c0_i32_0 = arith.constant 0 : i32
    %c0_i32_1 = arith.constant 0 : i32
    return %c0_i32, %c0_i32_0 : i32, i32
  }
  func.func @transform_5(%arg0: i32) -> (i32, i32) {
    %c0_i32 = arith.constant 0 : i32
    %c0_i32_0 = arith.constant 0 : i32
    %c0_i32_1 = arith.constant 0 : i32
    return %c0_i32, %c0_i32_0 : i32, i32
  }
  func.func @transform_6(%arg0: i32) -> (i32, i32, i32) {
    %c0_i32 = arith.constant 0 : i32
    %c0_i32_0 = arith.constant 0 : i32
    %c0_i32_1 = arith.constant 0 : i32
    %c0_i32_2 = arith.constant 0 : i32
    return %c0_i32, %c0_i32_0, %c0_i32_1 : i32, i32, i32
  }
  func.func @transform_7(%arg0: i32) -> (i32, i32, i32) {
    %c0_i32 = arith.constant 0 : i32
    %c0_i32_0 = arith.constant 0 : i32
    %c0_i32_1 = arith.constant 0 : i32
    %c0_i32_2 = arith.constant 0 : i32
    return %c0_i32, %c0_i32_0, %c0_i32_1 : i32, i32, i32
  }
  func.func @transform_8(%arg0: i32) -> (i32, i32) {
    %c0_i32 = arith.constant 0 : i32
    %c0_i32_0 = arith.constant 0 : i32
    return %arg0, %c0_i32 : i32, i32
  }
}

module attributes {stable_mosaic.version = 14 : i64} {
  func.func @_final_body(%arg0: memref<10000x32xf32, #tpu.memory_space<vmem>>, %arg1: memref<32x16xf32, #tpu.memory_space<vmem>>, %arg2: memref<1x16xf32, #tpu.memory_space<vmem>>, %arg3: memref<1x16xf32, #tpu.memory_space<vmem>>, %arg4: memref<2x10000x16xf32, #tpu.memory_space<vmem>>, %arg5: memref<10000x16xf32, #tpu.memory_space<vmem>>) attributes {dimension_semantics = [], scalar_prefetch = 0 : i64, scratch_operands = 0 : i64, tpu.core_type = #tpu.core_type<tc>} {
    %get3A = arith.constant 0 : index
    %get3A_0 = arith.constant 0 : index
    %get3A_1 = vector.load %arg0[%get3A, %get3A_0] : memref<10000x32xf32, #tpu.memory_space<vmem>>, vector<10000x32xf32>
    %get3A_2 = arith.constant 0 : index
    %get3A_3 = arith.constant 0 : index
    %get3A_4 = vector.load %arg1[%get3A_2, %get3A_3] : memref<32x16xf32, #tpu.memory_space<vmem>>, vector<32x16xf32>
    %dot_general3A = arith.constant dense<0.000000e+00> : vector<10000x16xf32>
    %dot_general3A_5 = tpu.matmul %get3A_1, %get3A_4, %dot_general3A {dimension_numbers = #tpu.dot_dimension_numbers<[1], [0], [0], [1], [0, 0, 1, 1], [], []>, transpose_lhs_hint = false} : vector<10000x32xf32>, vector<32x16xf32>, vector<10000x16xf32> -> vector<10000x16xf32>
    %reduce_sum3A = arith.constant dense<0.000000e+00> : vector<16xf32>
    %reduce_sum3A_6 = vector.multi_reduction <add>, %dot_general3A_5, %reduce_sum3A [0] : vector<10000x16xf32> to vector<16xf32>
    %broadcast_in_dim3A = vector.shape_cast %reduce_sum3A_6 : vector<16xf32> to vector<1x16xf32>
    %div3A = arith.constant 1.000000e+04 : f32
    %div3A_7 = vector.broadcast %div3A : f32 to vector<1x16xf32>
    %div3A_8 = arith.divf %broadcast_in_dim3A, %div3A_7 : vector<1x16xf32>
    %sub3A = vector.broadcast %div3A_8 : vector<1x16xf32> to vector<10000x16xf32>
    %sub3A_9 = arith.subf %dot_general3A_5, %sub3A : vector<10000x16xf32>
    %integer_pow3A = arith.mulf %sub3A_9, %sub3A_9 : vector<10000x16xf32>
    %reduce_sum3A_10 = arith.constant dense<0.000000e+00> : vector<16xf32>
    %reduce_sum3A_11 = vector.multi_reduction <add>, %integer_pow3A, %reduce_sum3A_10 [0] : vector<10000x16xf32> to vector<16xf32>
    %broadcast_in_dim3A_12 = vector.shape_cast %reduce_sum3A_11 : vector<16xf32> to vector<1x16xf32>
    %div3A_13 = arith.constant 1.000000e+04 : f32
    %div3A_14 = vector.broadcast %div3A_13 : f32 to vector<1x16xf32>
    %div3A_15 = arith.divf %broadcast_in_dim3A_12, %div3A_14 : vector<1x16xf32>
    %sub3A_16 = vector.broadcast %div3A_8 : vector<1x16xf32> to vector<10000x16xf32>
    %sub3A_17 = arith.subf %dot_general3A_5, %sub3A_16 : vector<10000x16xf32>
    %add3A = arith.constant 9.99999974E-6 : f32
    %add3A_18 = vector.broadcast %add3A : f32 to vector<1x16xf32>
    %add3A_19 = arith.addf %div3A_15, %add3A_18 : vector<1x16xf32>
    %rsqrt3A = math.rsqrt %add3A_19 : vector<1x16xf32>
    %mul3A = vector.broadcast %rsqrt3A : vector<1x16xf32> to vector<10000x16xf32>
    %mul3A_20 = arith.mulf %sub3A_17, %mul3A : vector<10000x16xf32>
    %get3A_21 = arith.constant 0 : index
    %get3A_22 = arith.constant 0 : index
    %get3A_23 = vector.load %arg2[%get3A_21, %get3A_22] : memref<1x16xf32, #tpu.memory_space<vmem>>, vector<1x16xf32>
    %mul3A_24 = vector.broadcast %get3A_23 : vector<1x16xf32> to vector<10000x16xf32>
    %mul3A_25 = arith.mulf %mul3A_20, %mul3A_24 : vector<10000x16xf32>
    %get3A_26 = arith.constant 0 : index
    %get3A_27 = arith.constant 0 : index
    %get3A_28 = vector.load %arg3[%get3A_26, %get3A_27] : memref<1x16xf32, #tpu.memory_space<vmem>>, vector<1x16xf32>
    %add3A_29 = vector.broadcast %get3A_28 : vector<1x16xf32> to vector<10000x16xf32>
    %add3A_30 = arith.addf %mul3A_25, %add3A_29 : vector<10000x16xf32>
    %tanh3A = math.tanh %add3A_30 : vector<10000x16xf32>
    %get3A_31 = arith.constant 0 : index
    %get3A_32 = arith.constant 0 : index
    %get3A_33 = arith.constant 0 : index
    %get3A_34 = vector.load %arg4[%get3A_31, %get3A_32, %get3A_33] : memref<2x10000x16xf32, #tpu.memory_space<vmem>>, vector<1x10000x16xf32>
    %get3A_35 = vector.shape_cast %get3A_34 : vector<1x10000x16xf32> to vector<10000x16xf32>
    %get3A_36 = arith.constant 1 : index
    %get3A_37 = arith.constant 0 : index
    %get3A_38 = arith.constant 0 : index
    %get3A_39 = vector.load %arg4[%get3A_36, %get3A_37, %get3A_38] : memref<2x10000x16xf32, #tpu.memory_space<vmem>>, vector<1x10000x16xf32>
    %get3A_40 = vector.shape_cast %get3A_39 : vector<1x10000x16xf32> to vector<10000x16xf32>
    %add3A_41 = arith.addf %get3A_35, %get3A_40 : vector<10000x16xf32>
    %add3A_42 = arith.addf %tanh3A, %add3A_41 : vector<10000x16xf32>
    %max3A = arith.constant 0.000000e+00 : f32
    %max3A_43 = vector.broadcast %max3A : f32 to vector<10000x16xf32>
    %max3A_44 = arith.maximumf %add3A_42, %max3A_43 : vector<10000x16xf32>
    %mul3A_45 = arith.mulf %max3A_44, %max3A_44 : vector<10000x16xf32>
    %reduce_sum3A_46 = arith.constant dense<0.000000e+00> : vector<10000xf32>
    %reduce_sum3A_47 = vector.multi_reduction <add>, %mul3A_45, %reduce_sum3A_46 [1] : vector<10000x16xf32> to vector<10000xf32>
    %broadcast_in_dim3A_48 = vector.shape_cast %reduce_sum3A_47 : vector<10000xf32> to vector<10000x1xf32>
    %sqrt3A = math.sqrt %broadcast_in_dim3A_48 : vector<10000x1xf32>
    %eq3A = arith.constant 0.000000e+00 : f32
    %eq3A_49 = vector.broadcast %eq3A : f32 to vector<10000x1xf32>
    %eq3A_50 = arith.cmpf oeq, %sqrt3A, %eq3A_49 : vector<10000x1xf32>
    %jit3A = arith.constant 1.000000e+00 : f32
    %broadcast_in_dim3A_51 = vector.broadcast %jit3A : f32 to vector<10000x1xf32>
    %select_n3A = arith.select %eq3A_50, %broadcast_in_dim3A_51, %sqrt3A : vector<10000x1xi1>, vector<10000x1xf32>
    %div3A_52 = vector.broadcast %select_n3A : vector<10000x1xf32> to vector<10000x16xf32>
    %div3A_53 = arith.divf %max3A_44, %div3A_52 : vector<10000x16xf32>
    %swap3A = arith.constant 0 : index
    %swap3A_54 = arith.constant 0 : index
    %swap3A_55 = vector.load %arg5[%swap3A, %swap3A_54] : memref<10000x16xf32, #tpu.memory_space<vmem>>, vector<10000x16xf32>
    tpu.vector_store %arg5[%swap3A, %swap3A_54], %div3A_53 {strides = array<i32>} : memref<10000x16xf32, #tpu.memory_space<vmem>>, vector<10000x16xf32>,
    return
  }
}

</mosaic_0001>

<sc_bundles>
// kernel: gather_offload_async_start
scs
__scs_entry_jumppad:
0x0: {  	(pc) =	sbr.rel $0x88, $3  }
0x1: {  	(tag) =	ssettag $0x0;
	lr =	simm.s32 $0x1  }
0x2: {  	[smem:$0x3F96] =	sst lr;
	_ =	strace $0xD0000000  }
0x3: {  	_ = 	snop  }
0x4: {  	_ = 	snop  }
0x5: {  	_ = 	snop  }
0x6: {  	_ = 	snop  }
0x7: {  	_ = 	snop  }
__scs_overlays_trampoline_lowered:
0x8: {  	[smem:$0x3FA5] =	sst s0  }
0x9: {  	[smem:$0x3FA6] =	sst s1  }
0xa: {  	[smem:$0x3FA7] =	sst s2  }
0xb: {  	[smem:$0x3FA8] =	sst s3  }
0xc: {  	[smem:$0x3FA9] =	sst s4  }
0xd: {  	[smem:$0x3FAA] =	sst s5  }
0xe: {  	[smem:$0x3FAB] =	sst s6  }
0xf: {  	[smem:$0x3FAC] =	sst s7  }
0x10: {  	[smem:$0x3FAD] =	sst s8  }
0x11: {  	[smem:$0x3FAE] =	sst s9;
	s0 =	simm.s32 @!p0 $0x0  }
0x12: {  	s1 =	sld [smem:$0x3F94];
	s0 =	simm.s32 @p0 $0x1  }
0x13: {  	[smem:$0x3FAF] =	sst s0;
	s0 =	simm.s32 @!p1 $0x0  }
0x14: {  	s2 =	sld [smem:$0x3F93];
	s0 =	simm.s32 @p1 $0x1  }
0x15: {  	[smem:$0x3FB0] =	sst s0;
	s0 =	simm.s32 @!p2 $0x0  }
0x16: {  	s3 =	sld [smem:$0x3FDB];
	s0 =	simm.s32 @p2 $0x1  }
0x17: {  	s4 =	simm.s32 $0x1BF5;
	[smem:$0x3FB2] =	sst s0  }
0x18: {  	s0 =	sld [smem:$0x3F95];
	_ =	swait.ge [sflag:s4], $0x0  }
0x19: {  	s7 =	sld [smem:$0x3F96]  }
0x1a: {  	s8 =	sadd.s32 $0xFFFFE003, lr  }
0x1b: {  	s9 =	sadd.s32 $0xFFFFFEF7, lr;
	s5 =	simm.s32 $0xFFFFFFFF;
	p2 =	slt.u32 s8, $0xFFFFF086  }
0x1c: {  	p1 =	slt.u32 s9, $0xF7A;
	s5 =	simm.s32 @!p2 $0x0  }
0x1d: {  	s5 =	simm.s32 @p1 $0x1;
	p0 =	seq.s32 s7, s2  }
0x1e: {  	s7 =	smul.u32 @!p0 $0xF7A, s2;
	p2 =	seq.s32 @!p0 s5, $0x0  }
0x1f: {  	s9 =	smul.u32 $0xF7A, s1;
	s8 =	simm.s32 @!p0 $0x1BF5;
	p2 =	por !p2, p0  }
0x20: {  	[sflag:s8] =	ssyncset.s32 @!p0 $0xFFFFF086;
	s6 =	sadd.s32 @!p0 s3, s7;
	s7 =	simm.s32 @!p0 $0x108  }
0x21: {  	s3 =	sadd.s32 s3, s9;
	s6 =	sadd.s32 @!p0 $0x88, s6;
	s7 =	simm.s32 @p2 $0x1082  }
0x22: {  	[simem:s7], [sflag:s8] =	dma.local @!p0 [hbm:s6], $0xF7A  }
0x23: {  	s9 =	sor.u32 $0xD0000000, s2;
	s6 =	simm.s32 $0x108;
	_ =	swait.ge @!p0 [sflag:s8], $0x0  }
0x24: {  	s3 =	sadd.s32 $0x88, s3;
	s6 =	simm.s32 @!p1 $0x1082;
	[sflag:s4] =	ssyncset.s32 $0xFFFFF086  }
0x25: {  	[simem:s6], [sflag:s4] =	dma.local [hbm:s3], $0xF7A  }
0x26: {  	[smem:$0x3F96] =	sst s1;
	(tag) =	ssettag s2;
	_ =	strace s9  }
0x27: {  	s1 =	sld [smem:$0x3FA6]  }
0x28: {  	s2 =	sld [smem:$0x3FA7]  }
0x29: {  	s4 =	sld [smem:$0x3FA9]  }
0x2a: {  	p0 =	seq.s32 s5, $0x0;
	s5 =	sld [smem:$0x3FAA]  }
0x2b: {  	s6 =	sld [smem:$0x3FAB]  }
0x2c: {  	s7 =	sld [smem:$0x3FAC]  }
0x2d: {  	s3 =	simm.s32 $0x108;
	s8 =	sld [smem:$0x3FAD]  }
0x2e: {  	s3 =	simm.s32 @!p0 $0x1082;
	s9 =	sld [smem:$0x3FAE]  }
0x2f: {  	lr =	sadd.s32 s0, s3;
	s0 =	sld [smem:$0x3FA5]  }
0x30: {  	s3 =	sld [smem:$0x3FA8]  }
0x31: {  	[smem:$0x3FB1] =	sst s10  }
0x32: {  	s10 =	sld [smem:$0x3FAF];
	_ =	sdelay $0x3  }
0x33: {  	p0 =	seq.s32 s10, $0x1;
	s10 =	sld [smem:$0x3FB1];
	_ =	sdelay $0x3  }
0x34: {  	[smem:$0x3FB1] =	sst s10  }
0x35: {  	s10 =	sld [smem:$0x3FB0];
	_ =	sdelay $0x3  }
0x36: {  	p1 =	seq.s32 s10, $0x1;
	s10 =	sld [smem:$0x3FB1];
	_ =	sdelay $0x3  }
0x37: {  	[smem:$0x3FB1] =	sst s10  }
0x38: {  	s10 =	sld [smem:$0x3FB2]  }
0x39: {  	_ = 	snop;
	(pc) =	sbr.ind lr, $3  }
0x3a: {  	_ = 	snop  }
0x3b: {  	_ = 	snop  }
0x3c: {  	p2 =	seq.s32 s10, $0x1;
	s10 =	sld [smem:$0x3FB1]  }
0x3d: {  	_ =	shalt  }
0x3e: {  	_ =	shalt  }
0x3f: {  	_ =	shalt  }
0x40: {  	_ =	shalt  }
0x41: {  	_ =	shalt  }
0x42: {  	_ =	shalt  }
0x43: {  	_ =	shalt  }
0x44: {  	_ =	shalt  }
0x45: {  	_ =	shalt  }
0x46: {  	_ =	shalt  }
0x47: {  	_ =	shalt  }
0x48: {  	_ =	shalt  }
0x49: {  	_ =	shalt  }
0x4a: {  	_ =	shalt  }
0x4b: {  	_ =	shalt  }
0x4c: {  	_ =	shalt  }
0x4d: {  	_ =	shalt  }
0x4e: {  	_ =	shalt  }
0x4f: {  	_ =	shalt  }
0x50: {  	_ =	shalt  }
0x51: {  	_ =	shalt  }
0x52: {  	_ =	shalt  }
0x53: {  	_ =	shalt  }
0x54: {  	_ =	shalt  }
0x55: {  	_ =	shalt  }
0x56: {  	_ =	shalt  }
0x57: {  	_ =	shalt  }
0x58: {  	_ =	shalt  }
0x59: {  	_ =	shalt  }
0x5a: {  	_ =	shalt  }
0x5b: {  	_ =	shalt  }
0x5c: {  	_ =	shalt  }
0x5d: {  	_ =	shalt  }
0x5e: {  	_ =	shalt  }
0x5f: {  	_ =	shalt  }
0x60: {  	_ =	shalt  }
0x61: {  	_ =	shalt  }
0x62: {  	_ =	shalt  }
0x63: {  	_ =	shalt  }
0x64: {  	_ =	shalt  }
0x65: {  	_ =	shalt  }
0x66: {  	_ =	shalt  }
0x67: {  	_ =	shalt  }
0x68: {  	_ =	shalt  }
0x69: {  	_ =	shalt  }
0x6a: {  	_ =	shalt  }
0x6b: {  	_ =	shalt  }
0x6c: {  	_ =	shalt  }
0x6d: {  	_ =	shalt  }
0x6e: {  	_ =	shalt  }
0x6f: {  	_ =	shalt  }
0x70: {  	_ =	shalt  }
0x71: {  	_ =	shalt  }
0x72: {  	_ =	shalt  }
0x73: {  	_ =	shalt  }
0x74: {  	_ =	shalt  }
0x75: {  	_ =	shalt  }
0x76: {  	_ =	shalt  }
0x77: {  	_ =	shalt  }
0x78: {  	_ =	shalt  }
0x79: {  	_ =	shalt  }
0x7a: {  	_ =	shalt  }
0x7b: {  	_ =	shalt  }
0x7c: {  	_ =	shalt  }
0x7d: {  	_ =	shalt  }
0x7e: {  	_ =	shalt  }
0x7f: {  	_ =	shalt  }
0x80: {  	_ =	shalt  }
0x81: {  	_ =	shalt  }
0x82: {  	_ =	shalt  }
0x83: {  	_ =	shalt  }
0x84: {  	_ =	shalt  }
0x85: {  	_ =	shalt  }
0x86: {  	_ =	shalt  }
0x87: {  	_ =	shalt  }
.Lfunc_end0:
.L_simem_size_0:
called_computation_lowered:
.L_overlay_start_0:
0x88: {  	s2 =	sld [smem:$0x3FD9]  }
0x89: {  	s3 =	sld [smem:$0x3FFE];
	_ =	sdelay $0x1  }
0x8a: {  	s1 =	srdreg.scid  }
0x8b: {  	s0 =	sand.u32 $0x1, s1  }
0x8c: {  	s16 =	sshll.u32 s0, $0xA;
	s2 =	sadd.s32 s3, s2  }
0x8d: {  	s2 =	sadd.s32 s2, s16  }
0x8e: {  	[smem:$0x3FBD] =	sst s2  }
0x8f: {  	_ = 	snop  }
0x90: {  	(tm) =	ssettm $0x1  }
0x91: {  	s17 =	sld [smem:$0x3FFB];
	_ =	sdelay $0x3  }
0x92: {  	_ =	strace s17  }
0x93: {  	s2 =	sld [smem:$0x3FFC];
	_ =	sdelay $0x3  }
0x94: {  	_ =	strace s2  }
0x95: {  	s2 =	sld [smem:$0x3FFD];
	_ =	sdelay $0x3  }
0x96: {  	_ =	strace s2  }
0x97: {  	_ =	strace $0x8FFFFFFF  }
0x98: {  	s18 =	sld [smem:$0x3FDB];
	_ =	sdelay $0x1  }
0x99: {  	s19 =	simm.s32 $_scs_section_size  }
0x9a: {  	s4 =	simm.s32 $_size__tile_overlayer_lowered;
	s5 =	simm.s32 $_tile_overlayer_lowered  }
0x9b: {  	s22 =	simm.s32 $0x1BFF;
	s21 =	sshll.u32 s5, $0x1;
	s2 =	sadd.s32 s19, s18  }
0x9c: {  	s6 =	simm.s32 $0x0;
	s20 =	sshll.u32 s4, $0x1;
	s4 =	sadd.s32 s21, s2  }
0x9d: {  	[timem:s6], [sflag:s22] =	dma.local [hbm:s4], s20  }
0x9e: {  	_ =	swait.ge [sflag:s22], s20  }
0x9f: {  	s3 =	ssub.s32 $0x0, s20;
	[sflag:s22] =	ssyncset.done $0x0  }
0xa0: {  	[sflag:s22] =	ssyncadd.s32 s3;
	_ =	sdelay $0x1  }
0xa1: {  	s23 =	simm.s32 $0x1B8B  }
0xa2: {  	_ =	swait.ge [sflag:s23], $0x1  }
0xa3: {  	[sflag:s23] =	ssyncset.done $0x0  }
0xa4: {  	s25 =	simm.s32 $0x1B8E;
	s24 =	sld [smem:$0x3FFE];
	[sflag:s23] =	ssyncadd.s32 $0xFFFFFFFF  }
0xa5: {  	s26 =	simm.s32 $execute0_lowered;
	[smem:$0x3FD2] =	sst s25  }
0xa6: {  	s4 =	sshll.u32 s26, $0x1;
	_ =	strace $0x80000046;
	[dreg:$0x1] =	wrdreg $0xFFFFFFFF  }
0xa7: {  	s28 =	simm.s32 $_size_execute0_lowered;
	s2 =	sadd.s32 s2, s4;
	[dreg:$0x0] =	wrdreg $0x0  }
0xa8: {  	s4 =	sshll.u32 s28, $0x1;
	[dreg:$0x2] =	wrdreg s2  }
0xa9: {  	[dreg:$0x3] =	wrdreg s4  }
0xaa: {  	[dreg:$0x4] =	wrdreg $0xC0  }
0xab: {  	_ =	task [dreg:s6], $0x5FFFF  }
0xac: {  	[dreg:$0x1] =	wrdreg $0xFFFFFFFF  }
0xad: {  	[dreg:$0x0] =	wrdreg $0x60  }
0xae: {  	[dreg:$0x2] =	wrdreg s24  }
0xaf: {  	[dreg:$0x3] =	wrdreg $0x9  }
0xb0: {  	_ =	task.clear_ibuf [dreg:s6], $0x4FFFF;
	_ =	strace $0x90000046  }
0xb1: {  	s29 =	simm.s32 $0x9;
	_ =	strace $0x80000048  }
0xb2: {  	_ =	swait.ge [sflag:s29], $0x1  }
0xb3: {  	[sflag:s29] =	ssyncadd.s32 $0xFFFFFFFF  }
0xb4: {  	_ =	strace $0x90000048  }
0xb5: {  	_ =	sfence  }
0xb6: {  	s30 =	sld [smem:$0x0];
	_ =	sdelay $0x2  }
0xb7: {  	s31 =	sshll.u32 s1, $0xD;
	s1 =	sshrl.u32 s1, $0x2  }
0xb8: {  	s3 =	sand.u32 $0x4000, s31;
	s1 =	sadd.s32 s1, s30  }
0xb9: {  	s0 =	sor.u32 s3, s0;
	s1 =	sshll.u32 s1, $0x11  }
0xba: {  	s0 =	sor.u32 s1, s0  }
0xbb: {  	s0 =	sadd.s32 $0x8F2B, s0  }
0xbc: {  	[sflag:s0] =	ssyncadd.remote.s32 $0x1  }
0xbd: {  	_ =	sfence.sel $0xFFFF  }
0xbe: {  	[dreg:$0x0] =	wrdreg $0xFFFFFFFF;
	(pc) =	sbr.abs _section_cstart, $3  }
0xbf: {  	[dreg:$0x1] =	wrdreg $0xFFFFFFFF  }
0xc0: {  	_ =	task.clear_ibuf [dreg:s6], $0x2FFFF;
	_ =	strace $0x9FFFFFFF  }
0xc1: {  	(tm) =	ssettm $0x7FFFFFFF  }
tec
execute0_lowered:
.L_overlay_start_1:
0x0: {  	(tag) =	ssettag $0x1  }
0x1: {  	s8 =	rddreg [dreg:$0x0]  }
0x2: {  	s0 =	rddreg [dreg:$0x1];
	_ =	strace $0x80000047;
	s1 =	stileid.u32  }
0x3: {  	s3 =	srdreg.scid;
	s4 =	simm.s32 $0x1;
	s7 =	simm.s32 $0x1  }
0x4: {  	s9 =	simm.s32 $0x1;
	s10 =	simm.s32 $0x3;
	s13 =	simm.s32 $0x0  }
0x5: {  	s12 =	simm.s32 $0x0;
	s5 =	sand.u32 $0x1, s3;
	s6 =	sshll.u32 s1, $0x1  }
0x6: {  	s2 =	sadd.s32 $0x2A00, s8;
	s3 =	sadd.s32 $0x7A00, s8;
	s5 =	sor.u32 s6, s5  }
.Ltmp0:
0x7: {  	[sflag:s4] =	ssyncpa.u1 $0x0;
	p0 =	slt.u32 s5, $0x9;
	(pc) =	sbr.rel .LBB2_1-.Ltmp0, $4  }
0x8: {  	s6 =	simm.s32 $0x2;
	s7 =	simm.s32 @!p0 $0x0;
	p0 =	sne.s32 s5, $0x8  }
0x9: {  	[sflag:s6] =	ssyncpa.u1 $0x0;
	s5 =	smul.u32 $0xFA0, s5;
	s9 =	simm.s32 @!p0 $0x0  }
0xa: {  	s8 =	sadd.s32 $0x33C00, s8;
	[sflag:s10] =	ssyncpa.u1 $0x0;
	s7 =	sadd.s32 s9, s7  }
0xb: {  	vm0 =	vmmov $0xffff;
	s10 =	simm.s32 $0x0;
	s11 =	smov.u32 s5;
	s9 =	sadd.s32 $0x1, s7  }
.LBB2_4:
0xc: {  	v2 =	vnsel vm1, $0x0, v2  }
0xd: {  	vm1 =	vgt.s32 v0, $0x0;
	v2 =	vmin.u32 v2, $0x270FF  }
0xe: {  	v0 =	vnsel vm1, $0x0, v0  }
0xf: {  	v0 =	vmin.u32 v0, $0x270FF  }
0x10: {  	[tilespmem:s18], [sflag:$0x1] =	stream.indirect_vreg.gather [hbm4b:s2+s10], $0x1, v1, vm0, $0x4038;
	[tilespmem:$0x3E80] =	vst v63  }
0x11: {  	(ifvalue) =	ssetifvalue $0x7FFFFFFF  }
0x12: {  	[tilespmem:s15], [sflag:$0x1] =	stream.indirect_vreg.gather [hbm4b:s2+s10], $0x1, v2, vm0, $0x4038;
	[tilespmem:$0x3E80] =	vst v63  }
0x13: {  	s29 =	sadd.s32 $0x10, s15;
	(ifvalue) =	ssetifvalue $0x7FFFFFFF  }
0x14: {  	[tilespmem:s29], [sflag:$0x1] =	stream.indirect_vreg.gather [hbm4b:s2+s10], $0x1, v0, vm0, $0x4038;
	[tilespmem:$0x3E80] =	vst v63  }
0x15: {  	_ =	swait.ge [sflag:s4], $0xFA0  }
0x16: {  	s30 =	sshrl.u32 s13, $0x3;
	[sflag:s4] =	ssyncset.done $0x0  }
0x17: {  	s31 =	sand.u32 $0x7, s13;
	s15 =	sadd.s32 s8, s30;
	[sflag:s4] =	ssyncadd.s32 $0xFFFFF060  }
0x18: {  	[hbm4b:s15+s31] =	stream.linear.scatter [tilespmem:s14], [sflag:$0x3], $0xFA0, $0x38;
	[tilespmem:$0x3E80] =	vst v63  }
.LBB2_5:
0x19: {  	s15 =	sadd.s32 $0x1F400, s11  }
0x1a: {  	p1 =	sgt.s32 s15, $0x270FF  }
0x1b: {  	s15 =	smov.u32 @p1 s5;
	p1 =	sne.s32 s12, s9  }
.Ltmp1:
0x1c: {  	p0 =	slt.u32 s12, $0x2;
	(pc) =	sbr.rel @!p1 .LBB2_6-.Ltmp1, $4  }
0x1d: {  	s14 =	simm.s32 @!p0 $0x3  }
0x1e: {  	_ =	swait.ge @!p0 [sflag:s14], $0xFA0  }
0x1f: {  	s16 =	sadd.s32 $0x1, s12;
	s13 =	smov.u32 s11;
	[sflag:s14] =	ssyncset.done @!p0 $0x0  }
0x20: {  	s12 =	smov.u32 s16;
	s11 =	smov.u32 s15;
	[sflag:s14] =	ssyncadd.s32 @!p0 $0xFFFFF060  }
.LBB2_1:
0x21: {  	p0 =	sge.u32 s12, s7  }
0x22: {  	s14 =	sxor.u32 @!p0 $0x1, s12  }
0x23: {  	s14 =	smul.u32 @!p0 $0x3E80, s14  }
0x24: {  	s31 =	sadd.s32 $0xFFFFFFFF, s12;
	s15 =	sshrl.u32 @!p0 s11, $0x3  }
0x25: {  	s16 =	sand.u32 @!p0 $0x7, s11;
	s15 =	sadd.s32 @!p0 s3, s15;
	s14 =	sshra.s32 @!p0 s14, $0x2  }
0x26: {  	[tilespmem:s14], [sflag:$0x2] =	stream.linear.gather @!p0 [hbm4b:s15+s16], $0xFA0, $0x38;
	[tilespmem:$0x3E80] =	vst v63  }
0x27: {  	p0 =	sge.u32 s31, s7  }
.Ltmp2:
0x28: {  	_ = 	snop;
	(pc) =	sbr.rel @p0 .LBB2_5-.Ltmp2, $1  }
0x29: {  	_ =	sdelay $0x3  }
0x2a: {  	s14 =	sand.u32 $0x1, s12  }
0x2b: {  	_ =	swait.ge [sflag:s6], $0xFA0;
	p0 =	seq.s32 s14, $0x1;
	s14 =	simm.s32 $0xFA0  }
0x2c: {  	[sflag:s6] =	ssyncset.done $0x0;
	s14 =	simm.s32 @!p0 $0x0  }
0x2d: {  	[sflag:s6] =	ssyncadd.s32 $0xFFFFF060;
	(ifvalue) =	ssetifvalue $0x7FFFFFFF;
	v0 =	vld.msk [tilespmem:s14+$0x0 ss:$0x1], $0xffff;
	_ =	sdelay $0x4  }
0x2e: {  	s15 =	sadd.s32 $0x10, s14;
	vm1 =	vgt.s32 v0, $0x0  }
0x2f: {  	v2 =	vld.msk [tilespmem:s15+$0x0 ss:$0x1], $0xffff;
	v1 =	vnsel vm1, $0x0, v0  }
0x30: {  	v1 =	vmin.u32 v1, $0x270FF;
	_ =	sdelay $0x2  }
0x31: {  	s17 =	simm.s32 $0x20;
	s14 =	sadd.s32 $0x1F40, s14;
	s16 =	sadd.s32 $0x10, s15  }
0x32: {  	s15 =	sadd.s32 $0x10, s14;
	s18 =	smov.u32 s14;
	v0 =	vld.msk [tilespmem:s16+$0x0 ss:$0x1], $0xffff;
	vm1 =	vgt.s32 v2, $0x0;
	(ifvalue) =	ssetifvalue $0x7FFFFFFF  }
.LBB2_3:
0x33: {  	[tilespmem:s18], [sflag:$0x1] =	stream.indirect_vreg.gather [hbm4b:s2+s10], $0x1, v1, vm0, $0x4038;
	[tilespmem:$0x3E80] =	vst v63  }
0x34: {  	s17 =	sadd.s32 $0x10, s17  }
0x35: {  	v2 =	vnsel vm1, $0x0, v2;
	p0 =	slt.u32 s17, $0xF90  }
.Ltmp3:
0x36: {  	s18 =	smov.u32 s15;
	v1 =	vmin.u32 v2, $0x270FF;
	(pc) =	sbr.rel @p0 .LBB2_3-.Ltmp3, $3  }
0x37: {  	_ =	sdelay $0x1  }
0x38: {  	s16 =	sadd.s32 $0x10, s16  }
0x39: {  	vm1 =	vgt.s32 v0, $0x0;
	s15 =	sadd.s32 $0x10, s15;
	v2 =	vmov v0;
	(ifvalue) =	ssetifvalue $0x7FFFFFFF;
	v0 =	vld.msk [tilespmem:s16+$0x0 ss:$0x1], $0xffff  }
.Ltmp4:
0x3a: {  	_ = 	snop;
	(pc) =	sbr.rel .LBB2_4-.Ltmp4, $1  }
0x3b: {  	_ =	sdelay $0x3  }
.LBB2_6:
0x3c: {  	_ =	sfence.sel $0x180000  }
0x3d: {  	s2 =	simm.s32 $0x2;
	[bflag:$0x0] =	sbarrier.arrive $0xFFFF  }
0x3e: {  	s30 =	simm.s32 $0x3;
	[sflag:s2] =	ssyncpa.u1 $0x1  }
0x3f: {  	s31 =	simm.s32 $0x1;
	[sflag:s30] =	ssyncpa.u1 $0x1  }
0x40: {  	[sflag:s31] =	ssyncpa.u1 $0x1  }
0x41: {  	p0 =	sne.s32 s1, $0x0;
	_ =	strace $0x90000047  }
0x42: {  	s0 =	sadd.s32 @!p0 $0x100000, s0;
	[bflag:$0x2] =	sbarrier.arrive $0xFFFF  }
0x43: {  	[sflag:s0] =	ssyncadd.tile.s32 @!p0 $0x1;
	_ =	shalt  }
.Lfunc_end2:
_tile_overlayer_lowered:
.L_overlay_start_2:
0x44: {  	(tag) =	ssettag $0x2  }
0x45: {  	s0 =	rddreg [dreg:$0x0];
	s2 =	stileid.u32  }
0x46: {  	s1 =	rddreg [dreg:$0x1];
	p0 =	sne.s32 s2, $0x0  }
0x47: {  	s3 =	rddreg [dreg:$0x2];
	[bflag:$0x3] =	sbarrier.arrive $0xFFFF;
	s2 =	simm.s32 @!p0 $0x1C01  }
0x48: {  	[timem:s3], [sflag:s2] =	dma.local @!p0 [hbm:s0], s1  }
0x49: {  	s0 =	simm.s32 @!p0 $0x1  }
0x4a: {  	_ =	swait.ge @!p0 [sflag:s0], s1  }
0x4b: {  	s1 =	ssub.s32 @!p0 $0x0, s1;
	[sflag:s0] =	ssyncset.done @!p0 $0x0  }
0x4c: {  	[sflag:s0] =	ssyncadd.s32 @!p0 s1  }
0x4d: {  	[bflag:$0x3] =	sbarrier.arrive $0xFFFF  }
0x4e: {  	_ =	shalt  }

// kernel: kernel.6.cloned.1.call-start
scs
__scs_entry_jumppad:
0x0: {  	(pc) =	sbr.rel $0x88, $3  }
0x1: {  	(tag) =	ssettag $0x0;
	lr =	simm.s32 $0x1  }
0x2: {  	[smem:$0x3F96] =	sst lr;
	_ =	strace $0xD0000000  }
0x3: {  	_ = 	snop  }
0x4: {  	_ = 	snop  }
0x5: {  	_ = 	snop  }
0x6: {  	_ = 	snop  }
0x7: {  	_ = 	snop  }
__scs_overlays_trampoline_lowered:
0x8: {  	[smem:$0x3FA5] =	sst s0  }
0x9: {  	[smem:$0x3FA6] =	sst s1  }
0xa: {  	[smem:$0x3FA7] =	sst s2  }
0xb: {  	[smem:$0x3FA8] =	sst s3  }
0xc: {  	[smem:$0x3FA9] =	sst s4  }
0xd: {  	[smem:$0x3FAA] =	sst s5  }
0xe: {  	[smem:$0x3FAB] =	sst s6  }
0xf: {  	[smem:$0x3FAC] =	sst s7  }
0x10: {  	[smem:$0x3FAD] =	sst s8  }
0x11: {  	[smem:$0x3FAE] =	sst s9;
	s0 =	simm.s32 @!p0 $0x0  }
0x12: {  	s1 =	sld [smem:$0x3F94];
	s0 =	simm.s32 @p0 $0x1  }
0x13: {  	[smem:$0x3FAF] =	sst s0;
	s0 =	simm.s32 @!p1 $0x0  }
0x14: {  	s2 =	sld [smem:$0x3F93];
	s0 =	simm.s32 @p1 $0x1  }
0x15: {  	[smem:$0x3FB0] =	sst s0;
	s0 =	simm.s32 @!p2 $0x0  }
0x16: {  	s3 =	sld [smem:$0x3FDB];
	s0 =	simm.s32 @p2 $0x1  }
0x17: {  	s4 =	simm.s32 $0x1BF5;
	[smem:$0x3FB2] =	sst s0  }
0x18: {  	s0 =	sld [smem:$0x3F95];
	_ =	swait.ge [sflag:s4], $0x0  }
0x19: {  	s7 =	sld [smem:$0x3F96]  }
0x1a: {  	s8 =	sadd.s32 $0xFFFFE003, lr  }
0x1b: {  	s9 =	sadd.s32 $0xFFFFFEF7, lr;
	s5 =	simm.s32 $0xFFFFFFFF;
	p2 =	slt.u32 s8, $0xFFFFF086  }
0x1c: {  	p1 =	slt.u32 s9, $0xF7A;
	s5 =	simm.s32 @!p2 $0x0  }
0x1d: {  	s5 =	simm.s32 @p1 $0x1;
	p0 =	seq.s32 s7, s2  }
0x1e: {  	s7 =	smul.u32 @!p0 $0xF7A, s2;
	p2 =	seq.s32 @!p0 s5, $0x0  }
0x1f: {  	s9 =	smul.u32 $0xF7A, s1;
	s8 =	simm.s32 @!p0 $0x1BF5;
	p2 =	por !p2, p0  }
0x20: {  	[sflag:s8] =	ssyncset.s32 @!p0 $0xFFFFF086;
	s6 =	sadd.s32 @!p0 s3, s7;
	s7 =	simm.s32 @!p0 $0x108  }
0x21: {  	s3 =	sadd.s32 s3, s9;
	s6 =	sadd.s32 @!p0 $0x88, s6;
	s7 =	simm.s32 @p2 $0x1082  }
0x22: {  	[simem:s7], [sflag:s8] =	dma.local @!p0 [hbm:s6], $0xF7A  }
0x23: {  	s9 =	sor.u32 $0xD0000000, s2;
	s6 =	simm.s32 $0x108;
	_ =	swait.ge @!p0 [sflag:s8], $0x0  }
0x24: {  	s3 =	sadd.s32 $0x88, s3;
	s6 =	simm.s32 @!p1 $0x1082;
	[sflag:s4] =	ssyncset.s32 $0xFFFFF086  }
0x25: {  	[simem:s6], [sflag:s4] =	dma.local [hbm:s3], $0xF7A  }
0x26: {  	[smem:$0x3F96] =	sst s1;
	(tag) =	ssettag s2;
	_ =	strace s9  }
0x27: {  	s1 =	sld [smem:$0x3FA6]  }
0x28: {  	s2 =	sld [smem:$0x3FA7]  }
0x29: {  	s4 =	sld [smem:$0x3FA9]  }
0x2a: {  	p0 =	seq.s32 s5, $0x0;
	s5 =	sld [smem:$0x3FAA]  }
0x2b: {  	s6 =	sld [smem:$0x3FAB]  }
0x2c: {  	s7 =	sld [smem:$0x3FAC]  }
0x2d: {  	s3 =	simm.s32 $0x108;
	s8 =	sld [smem:$0x3FAD]  }
0x2e: {  	s3 =	simm.s32 @!p0 $0x1082;
	s9 =	sld [smem:$0x3FAE]  }
0x2f: {  	lr =	sadd.s32 s0, s3;
	s0 =	sld [smem:$0x3FA5]  }
0x30: {  	s3 =	sld [smem:$0x3FA8]  }
0x31: {  	[smem:$0x3FB1] =	sst s10  }
0x32: {  	s10 =	sld [smem:$0x3FAF];
	_ =	sdelay $0x3  }
0x33: {  	p0 =	seq.s32 s10, $0x1;
	s10 =	sld [smem:$0x3FB1];
	_ =	sdelay $0x3  }
0x34: {  	[smem:$0x3FB1] =	sst s10  }
0x35: {  	s10 =	sld [smem:$0x3FB0];
	_ =	sdelay $0x3  }
0x36: {  	p1 =	seq.s32 s10, $0x1;
	s10 =	sld [smem:$0x3FB1];
	_ =	sdelay $0x3  }
0x37: {  	[smem:$0x3FB1] =	sst s10  }
0x38: {  	s10 =	sld [smem:$0x3FB2]  }
0x39: {  	_ = 	snop;
	(pc) =	sbr.ind lr, $3  }
0x3a: {  	_ = 	snop  }
0x3b: {  	_ = 	snop  }
0x3c: {  	p2 =	seq.s32 s10, $0x1;
	s10 =	sld [smem:$0x3FB1]  }
0x3d: {  	_ =	shalt  }
0x3e: {  	_ =	shalt  }
0x3f: {  	_ =	shalt  }
0x40: {  	_ =	shalt  }
0x41: {  	_ =	shalt  }
0x42: {  	_ =	shalt  }
0x43: {  	_ =	shalt  }
0x44: {  	_ =	shalt  }
0x45: {  	_ =	shalt  }
0x46: {  	_ =	shalt  }
0x47: {  	_ =	shalt  }
0x48: {  	_ =	shalt  }
0x49: {  	_ =	shalt  }
0x4a: {  	_ =	shalt  }
0x4b: {  	_ =	shalt  }
0x4c: {  	_ =	shalt  }
0x4d: {  	_ =	shalt  }
0x4e: {  	_ =	shalt  }
0x4f: {  	_ =	shalt  }
0x50: {  	_ =	shalt  }
0x51: {  	_ =	shalt  }
0x52: {  	_ =	shalt  }
0x53: {  	_ =	shalt  }
0x54: {  	_ =	shalt  }
0x55: {  	_ =	shalt  }
0x56: {  	_ =	shalt  }
0x57: {  	_ =	shalt  }
0x58: {  	_ =	shalt  }
0x59: {  	_ =	shalt  }
0x5a: {  	_ =	shalt  }
0x5b: {  	_ =	shalt  }
0x5c: {  	_ =	shalt  }
0x5d: {  	_ =	shalt  }
0x5e: {  	_ =	shalt  }
0x5f: {  	_ =	shalt  }
0x60: {  	_ =	shalt  }
0x61: {  	_ =	shalt  }
0x62: {  	_ =	shalt  }
0x63: {  	_ =	shalt  }
0x64: {  	_ =	shalt  }
0x65: {  	_ =	shalt  }
0x66: {  	_ =	shalt  }
0x67: {  	_ =	shalt  }
0x68: {  	_ =	shalt  }
0x69: {  	_ =	shalt  }
0x6a: {  	_ =	shalt  }
0x6b: {  	_ =	shalt  }
0x6c: {  	_ =	shalt  }
0x6d: {  	_ =	shalt  }
0x6e: {  	_ =	shalt  }
0x6f: {  	_ =	shalt  }
0x70: {  	_ =	shalt  }
0x71: {  	_ =	shalt  }
0x72: {  	_ =	shalt  }
0x73: {  	_ =	shalt  }
0x74: {  	_ =	shalt  }
0x75: {  	_ =	shalt  }
0x76: {  	_ =	shalt  }
0x77: {  	_ =	shalt  }
0x78: {  	_ =	shalt  }
0x79: {  	_ =	shalt  }
0x7a: {  	_ =	shalt  }
0x7b: {  	_ =	shalt  }
0x7c: {  	_ =	shalt  }
0x7d: {  	_ =	shalt  }
0x7e: {  	_ =	shalt  }
0x7f: {  	_ =	shalt  }
0x80: {  	_ =	shalt  }
0x81: {  	_ =	shalt  }
0x82: {  	_ =	shalt  }
0x83: {  	_ =	shalt  }
0x84: {  	_ =	shalt  }
0x85: {  	_ =	shalt  }
0x86: {  	_ =	shalt  }
0x87: {  	_ =	shalt  }
.Lfunc_end0:
.L_simem_size_0:
called_computation.1_lowered:
.L_overlay_start_0:
0x88: {  	s2 =	sld [smem:$0x3FD9]  }
0x89: {  	s3 =	sld [smem:$0x3FFE];
	_ =	sdelay $0x1  }
0x8a: {  	s1 =	srdreg.scid  }
0x8b: {  	s0 =	sand.u32 $0x1, s1  }
0x8c: {  	s16 =	sshll.u32 s0, $0xA;
	s2 =	sadd.s32 s3, s2  }
0x8d: {  	s2 =	sadd.s32 s2, s16  }
0x8e: {  	[smem:$0x3FBD] =	sst s2  }
0x8f: {  	_ = 	snop  }
0x90: {  	(tm) =	ssettm $0x1  }
0x91: {  	s17 =	sld [smem:$0x3FFB];
	_ =	sdelay $0x3  }
0x92: {  	_ =	strace s17  }
0x93: {  	s2 =	sld [smem:$0x3FFC];
	_ =	sdelay $0x3  }
0x94: {  	_ =	strace s2  }
0x95: {  	s2 =	sld [smem:$0x3FFD];
	_ =	sdelay $0x3  }
0x96: {  	_ =	strace s2  }
0x97: {  	_ =	strace $0x8FFFFFFF  }
0x98: {  	s18 =	sld [smem:$0x3FDB];
	_ =	sdelay $0x1  }
0x99: {  	s19 =	simm.s32 $_scs_section_size  }
0x9a: {  	s4 =	simm.s32 $_size__tile_overlayer_lowered;
	s5 =	simm.s32 $_tile_overlayer_lowered  }
0x9b: {  	s22 =	simm.s32 $0x1BFF;
	s21 =	sshll.u32 s5, $0x1;
	s2 =	sadd.s32 s19, s18  }
0x9c: {  	s6 =	simm.s32 $0x0;
	s20 =	sshll.u32 s4, $0x1;
	s4 =	sadd.s32 s21, s2  }
0x9d: {  	[timem:s6], [sflag:s22] =	dma.local [hbm:s4], s20  }
0x9e: {  	_ =	swait.ge [sflag:s22], s20  }
0x9f: {  	s3 =	ssub.s32 $0x0, s20;
	[sflag:s22] =	ssyncset.done $0x0  }
0xa0: {  	[sflag:s22] =	ssyncadd.s32 s3;
	_ =	sdelay $0x1  }
0xa1: {  	s23 =	simm.s32 $0x1B8B  }
0xa2: {  	_ =	swait.ge [sflag:s23], $0x1  }
0xa3: {  	[sflag:s23] =	ssyncset.done $0x0  }
0xa4: {  	s25 =	simm.s32 $0x1B8E;
	s24 =	sld [smem:$0x3FFE];
	[sflag:s23] =	ssyncadd.s32 $0xFFFFFFFF  }
0xa5: {  	s26 =	simm.s32 $execute0_lowered;
	[smem:$0x3FD2] =	sst s25  }
0xa6: {  	s4 =	sshll.u32 s26, $0x1;
	_ =	strace $0x80000049;
	[dreg:$0x1] =	wrdreg $0xFFFFFFFF  }
0xa7: {  	s28 =	simm.s32 $_size_execute0_lowered;
	s2 =	sadd.s32 s2, s4;
	[dreg:$0x0] =	wrdreg $0x0  }
0xa8: {  	s4 =	sshll.u32 s28, $0x1;
	[dreg:$0x2] =	wrdreg s2  }
0xa9: {  	[dreg:$0x3] =	wrdreg s4  }
0xaa: {  	[dreg:$0x4] =	wrdreg $0xC0  }
0xab: {  	_ =	task [dreg:s6], $0x5FFFF  }
0xac: {  	[dreg:$0x1] =	wrdreg $0xFFFFFFFF  }
0xad: {  	[dreg:$0x0] =	wrdreg $0x60  }
0xae: {  	[dreg:$0x2] =	wrdreg s24  }
0xaf: {  	[dreg:$0x3] =	wrdreg $0x9  }
0xb0: {  	_ =	task.clear_ibuf [dreg:s6], $0x4FFFF;
	_ =	strace $0x90000049  }
0xb1: {  	s29 =	simm.s32 $0x9;
	_ =	strace $0x8000004B  }
0xb2: {  	_ =	swait.ge [sflag:s29], $0x1  }
0xb3: {  	[sflag:s29] =	ssyncadd.s32 $0xFFFFFFFF  }
0xb4: {  	_ =	strace $0x9000004B  }
0xb5: {  	_ =	sfence  }
0xb6: {  	s30 =	sld [smem:$0x0];
	_ =	sdelay $0x2  }
0xb7: {  	s31 =	sshll.u32 s1, $0xD;
	s1 =	sshrl.u32 s1, $0x2  }
0xb8: {  	s3 =	sand.u32 $0x4000, s31;
	s1 =	sadd.s32 s1, s30  }
0xb9: {  	s0 =	sor.u32 s3, s0;
	s1 =	sshll.u32 s1, $0x11  }
0xba: {  	s0 =	sor.u32 s1, s0  }
0xbb: {  	s0 =	sadd.s32 $0x8F2B, s0  }
0xbc: {  	[sflag:s0] =	ssyncadd.remote.s32 $0x1  }
0xbd: {  	_ =	sfence.sel $0xFFFF  }
0xbe: {  	[dreg:$0x0] =	wrdreg $0xFFFFFFFF;
	(pc) =	sbr.abs _section_cstart, $3  }
0xbf: {  	[dreg:$0x1] =	wrdreg $0xFFFFFFFF  }
0xc0: {  	_ =	task.clear_ibuf [dreg:s6], $0x2FFFF;
	_ =	strace $0x9FFFFFFF  }
0xc1: {  	(tm) =	ssettm $0x7FFFFFFF  }
tec
execute0_lowered:
.L_overlay_start_1:
0x0: {  	(tag) =	ssettag $0x1  }
0x1: {  	s1 =	srdreg.scid;
	s0 =	stileid.u32  }
0x2: {  	s4 =	rddreg [dreg:$0x0];
	s2 =	simm.s32 $0x0;
	s10 =	simm.s32 $0x23A0  }
0x3: {  	s11 =	simm.s32 $0x3340;
	s12 =	simm.s32 $0x42E0;
	s13 =	simm.s32 $0x5280  }
0x4: {  	s14 =	simm.s32 $0x6220;
	s15 =	simm.s32 $0x71C0;
	s16 =	simm.s32 $0x8160  }
0x5: {  	s17 =	simm.s32 $0x1;
	s3 =	sand.u32 $0x1, s1;
	s1 =	rddreg [dreg:$0x1]  }
0x6: {  	s18 =	simm.s32 $0x0;
	s30 =	sshll.u32 s0, $0x1;
	[smem:$0x7FF] =	sst s2  }
0x7: {  	s6 =	smul.u32 $0x9C40, s0;
	s5 =	sor.u32 s3, s30;
	_ =	strace $0x8000004A  }
0x8: {  	s7 =	ssub.s32 $0x2, s3;
	s8 =	smul.u32 $0x4E20, s3;
	s3 =	sadd.s32 $0xCA00, s4  }
0x9: {  	s5 =	smul.u32 $0x280, s5;
	s6 =	sadd.s32 s6, s4;
	s9 =	sshrl.u32 s7, $0x1  }
0xa: {  	s31 =	ssub.s32 s7, s9;
	s6 =	sadd.s32 s8, s6;
	s7 =	simm.s32 $0x2  }
0xb: {  	s8 =	simm.s32 $0x7D;
	s9 =	simm.s32 $0x1400;
	s4 =	sadd.s32 s5, s4  }
0xc: {  	s5 =	smax.u32 s31, $0x1;
	s6 =	sadd.s32 $0x16800, s6;
	s4 =	sadd.s32 $0x2A00, s4  }
.LBB2_1:
0xd: {  	[tilespmem:s2], [sflag:$0x2] =	stream.linear.gather [hbm4b:s4+s2], $0x1400, $0x38;
	[tilespmem:$0x9100] =	vst v63  }
0xe: {  	_ =	swait.ge [sflag:s7], $0x1400  }
0xf: {  	[sflag:s7] =	ssyncset.done $0x0  }
0x10: {  	s19 =	simm.s32 $0x0;
	[sflag:s7] =	ssyncadd.s32 $0xFFFFEC00  }
0x11: {  	[tilespmem:s9], [sflag:$0x1] =	stream.indirect.gather [hbm4b:s3+s8], $0x20, s19, s8, $0xb8;
	[tilespmem:$0x9100] =	vst v63  }
0x12: {  	s24 =	simm.s32 $0x80  }
0x13: {  	[tilespmem:s10], [sflag:$0x1] =	stream.indirect.gather [hbm4b:s3+s8], $0x20, s24, s8, $0xb8;
	[tilespmem:$0x9100] =	vst v63  }
0x14: {  	s25 =	simm.s32 $0x100  }
0x15: {  	[tilespmem:s11], [sflag:$0x1] =	stream.indirect.gather [hbm4b:s3+s8], $0x20, s25, s8, $0xb8;
	[tilespmem:$0x9100] =	vst v63  }
0x16: {  	s26 =	simm.s32 $0x180  }
0x17: {  	[tilespmem:s12], [sflag:$0x1] =	stream.indirect.gather [hbm4b:s3+s8], $0x20, s26, s8, $0xb8;
	[tilespmem:$0x9100] =	vst v63  }
0x18: {  	s28 =	simm.s32 $0x200  }
0x19: {  	[tilespmem:s13], [sflag:$0x1] =	stream.indirect.gather [hbm4b:s3+s8], $0x20, s28, s8, $0xb8;
	[tilespmem:$0x9100] =	vst v63  }
0x1a: {  	s29 =	simm.s32 $0x280  }
0x1b: {  	[tilespmem:s14], [sflag:$0x1] =	stream.indirect.gather [hbm4b:s3+s8], $0x20, s29, s8, $0xb8;
	[tilespmem:$0x9100] =	vst v63  }
0x1c: {  	s30 =	simm.s32 $0x300  }
0x1d: {  	[tilespmem:s15], [sflag:$0x1] =	stream.indirect.gather [hbm4b:s3+s8], $0x20, s30, s8, $0xb8;
	[tilespmem:$0x9100] =	vst v63  }
0x1e: {  	s31 =	simm.s32 $0x380  }
0x1f: {  	[tilespmem:s16], [sflag:$0x1] =	stream.indirect.gather [hbm4b:s3+s8], $0x20, s31, s8, $0xb8;
	[tilespmem:$0x9100] =	vst v63  }
0x20: {  	_ =	swait.ge [sflag:s17], $0xFA0  }
0x21: {  	[sflag:s17] =	ssyncset.done $0x0  }
0x22: {  	[sflag:s17] =	ssyncadd.s32 $0xFFFFF060  }
0x23: {  	_ =	swait.ge [sflag:s17], $0xFA0  }
0x24: {  	[sflag:s17] =	ssyncset.done $0x0  }
0x25: {  	[sflag:s17] =	ssyncadd.s32 $0xFFFFF060  }
0x26: {  	_ =	swait.ge [sflag:s17], $0xFA0  }
0x27: {  	[sflag:s17] =	ssyncset.done $0x0  }
0x28: {  	[sflag:s17] =	ssyncadd.s32 $0xFFFFF060  }
0x29: {  	_ =	swait.ge [sflag:s17], $0xFA0  }
0x2a: {  	[sflag:s17] =	ssyncset.done $0x0  }
0x2b: {  	[sflag:s17] =	ssyncadd.s32 $0xFFFFF060  }
0x2c: {  	_ =	swait.ge [sflag:s17], $0xFA0  }
0x2d: {  	[sflag:s17] =	ssyncset.done $0x0  }
0x2e: {  	[sflag:s17] =	ssyncadd.s32 $0xFFFFF060  }
0x2f: {  	_ =	swait.ge [sflag:s17], $0xFA0  }
0x30: {  	[sflag:s17] =	ssyncset.done $0x0  }
0x31: {  	[sflag:s17] =	ssyncadd.s32 $0xFFFFF060  }
0x32: {  	_ =	swait.ge [sflag:s17], $0xFA0  }
0x33: {  	[sflag:s17] =	ssyncset.done $0x0  }
0x34: {  	[sflag:s17] =	ssyncadd.s32 $0xFFFFF060  }
0x35: {  	_ =	swait.ge [sflag:s17], $0xFA0  }
0x36: {  	[sflag:s17] =	ssyncset.done $0x0  }
0x37: {  	[sflag:s17] =	ssyncadd.s32 $0xFFFFF060  }
0x38: {  	[hbm4b:s6+s2] =	stream.linear.scatter [tilespmem:s9], [sflag:$0x2], $0x7D00, $0x38;
	[tilespmem:$0x9100] =	vst v63  }
0x39: {  	s20 =	simm.s32 $0x1000;
	_ =	swait.ge [sflag:s7], $0x7D00  }
0x3a: {  	s22 =	simm.s32 $0x2000;
	s19 =	sadd.s32 $0xFA0, s6;
	[sflag:s7] =	ssyncset.done $0x0  }
.LBB2_2:
0x3b: {  	s23 =	sshra.s32 s20, $0x2  }
0x3c: {  	[sflag:s7] =	ssyncadd.s32 $0xFFFF8300;
	s20 =	smov.u32 s22;
	s21 =	sadd.s32 $0x1000, s22  }
0x3d: {  	[tilespmem:s9], [sflag:$0x1] =	stream.indirect.gather [hbm4b:s3+s8], $0x20, s23, s8, $0xb8;
	[tilespmem:$0x9100] =	vst v63  }
0x3e: {  	p0 =	sne.s32 s22, $0x4000;
	s22 =	sadd.s32 $0x80, s23  }
0x3f: {  	[tilespmem:s10], [sflag:$0x1] =	stream.indirect.gather [hbm4b:s3+s8], $0x20, s22, s8, $0xb8;
	[tilespmem:$0x9100] =	vst v63  }
0x40: {  	s22 =	sadd.s32 $0x100, s23  }
0x41: {  	[tilespmem:s11], [sflag:$0x1] =	stream.indirect.gather [hbm4b:s3+s8], $0x20, s22, s8, $0xb8;
	[tilespmem:$0x9100] =	vst v63  }
0x42: {  	s22 =	sadd.s32 $0x180, s23  }
0x43: {  	[tilespmem:s12], [sflag:$0x1] =	stream.indirect.gather [hbm4b:s3+s8], $0x20, s22, s8, $0xb8;
	[tilespmem:$0x9100] =	vst v63  }
0x44: {  	s22 =	sadd.s32 $0x200, s23  }
0x45: {  	[tilespmem:s13], [sflag:$0x1] =	stream.indirect.gather [hbm4b:s3+s8], $0x20, s22, s8, $0xb8;
	[tilespmem:$0x9100] =	vst v63  }
0x46: {  	s22 =	sadd.s32 $0x280, s23  }
0x47: {  	[tilespmem:s14], [sflag:$0x1] =	stream.indirect.gather [hbm4b:s3+s8], $0x20, s22, s8, $0xb8;
	[tilespmem:$0x9100] =	vst v63  }
0x48: {  	s22 =	sadd.s32 $0x300, s23  }
0x49: {  	[tilespmem:s15], [sflag:$0x1] =	stream.indirect.gather [hbm4b:s3+s8], $0x20, s22, s8, $0xb8;
	[tilespmem:$0x9100] =	vst v63  }
0x4a: {  	s22 =	sadd.s32 $0x380, s23  }
0x4b: {  	[tilespmem:s16], [sflag:$0x1] =	stream.indirect.gather [hbm4b:s3+s8], $0x20, s22, s8, $0xb8;
	[tilespmem:$0x9100] =	vst v63  }
0x4c: {  	_ =	swait.ge [sflag:s17], $0xFA0  }
0x4d: {  	[sflag:s17] =	ssyncset.done $0x0  }
0x4e: {  	[sflag:s17] =	ssyncadd.s32 $0xFFFFF060  }
0x4f: {  	_ =	swait.ge [sflag:s17], $0xFA0  }
0x50: {  	[sflag:s17] =	ssyncset.done $0x0  }
0x51: {  	[sflag:s17] =	ssyncadd.s32 $0xFFFFF060  }
0x52: {  	_ =	swait.ge [sflag:s17], $0xFA0  }
0x53: {  	[sflag:s17] =	ssyncset.done $0x0  }
0x54: {  	[sflag:s17] =	ssyncadd.s32 $0xFFFFF060  }
0x55: {  	_ =	swait.ge [sflag:s17], $0xFA0  }
0x56: {  	[sflag:s17] =	ssyncset.done $0x0  }
0x57: {  	[sflag:s17] =	ssyncadd.s32 $0xFFFFF060  }
0x58: {  	_ =	swait.ge [sflag:s17], $0xFA0  }
0x59: {  	[sflag:s17] =	ssyncset.done $0x0  }
0x5a: {  	[sflag:s17] =	ssyncadd.s32 $0xFFFFF060  }
0x5b: {  	_ =	swait.ge [sflag:s17], $0xFA0  }
0x5c: {  	[sflag:s17] =	ssyncset.done $0x0  }
0x5d: {  	[sflag:s17] =	ssyncadd.s32 $0xFFFFF060  }
0x5e: {  	_ =	swait.ge [sflag:s17], $0xFA0  }
0x5f: {  	[sflag:s17] =	ssyncset.done $0x0  }
0x60: {  	[sflag:s17] =	ssyncadd.s32 $0xFFFFF060  }
0x61: {  	_ =	swait.ge [sflag:s17], $0xFA0  }
.Ltmp0:
0x62: {  	[sflag:s17] =	ssyncset.done $0x0;
	(pc) =	sbr.rel @p0 .LBB2_2-.Ltmp0, $4  }
0x63: {  	[sflag:s17] =	ssyncadd.s32 $0xFFFFF060  }
0x64: {  	[hbm4b:s19+s2] =	stream.linear.scatter [tilespmem:s9], [sflag:$0x2], $0x7D00, $0x38;
	[tilespmem:$0x9100] =	vst v63  }
0x65: {  	_ =	swait.ge [sflag:s7], $0x7D00  }
0x66: {  	s22 =	smov.u32 s21;
	s19 =	sadd.s32 $0xFA0, s19;
	[sflag:s7] =	ssyncset.done $0x0  }
0x67: {  	s20 =	sshra.s32 s20, $0x2;
	[sflag:s7] =	ssyncadd.s32 $0xFFFF8300  }
0x68: {  	[tilespmem:s9], [sflag:$0x1] =	stream.indirect.gather [hbm4b:s3+s8], $0x20, s20, s8, $0xb8;
	[tilespmem:$0x9100] =	vst v63  }
0x69: {  	s21 =	sadd.s32 $0x80, s20  }
0x6a: {  	[tilespmem:s10], [sflag:$0x1] =	stream.indirect.gather [hbm4b:s3+s8], $0x20, s21, s8, $0xb8;
	[tilespmem:$0x9100] =	vst v63  }
0x6b: {  	s26 =	sadd.s32 $0x100, s20  }
0x6c: {  	[tilespmem:s11], [sflag:$0x1] =	stream.indirect.gather [hbm4b:s3+s8], $0x20, s26, s8, $0xb8;
	[tilespmem:$0x9100] =	vst v63  }
0x6d: {  	s28 =	sadd.s32 $0x180, s20  }
0x6e: {  	[tilespmem:s12], [sflag:$0x1] =	stream.indirect.gather [hbm4b:s3+s8], $0x20, s28, s8, $0xb8;
	[tilespmem:$0x9100] =	vst v63  }
0x6f: {  	s29 =	sadd.s32 $0x200, s20  }
0x70: {  	[tilespmem:s13], [sflag:$0x1] =	stream.indirect.gather [hbm4b:s3+s8], $0x20, s29, s8, $0xb8;
	[tilespmem:$0x9100] =	vst v63  }
0x71: {  	s30 =	sadd.s32 $0x280, s20  }
0x72: {  	[tilespmem:s14], [sflag:$0x1] =	stream.indirect.gather [hbm4b:s3+s8], $0x20, s30, s8, $0xb8;
	[tilespmem:$0x9100] =	vst v63  }
0x73: {  	s31 =	sadd.s32 $0x300, s20  }
0x74: {  	[tilespmem:s15], [sflag:$0x1] =	stream.indirect.gather [hbm4b:s3+s8], $0x20, s31, s8, $0xb8;
	[tilespmem:$0x9100] =	vst v63  }
0x75: {  	s20 =	sadd.s32 $0x380, s20  }
0x76: {  	[tilespmem:s16], [sflag:$0x1] =	stream.indirect.gather [hbm4b:s3+s8], $0x20, s20, s8, $0xb8;
	[tilespmem:$0x9100] =	vst v63  }
0x77: {  	_ =	swait.ge [sflag:s17], $0xFA0  }
0x78: {  	[sflag:s17] =	ssyncset.done $0x0  }
0x79: {  	[sflag:s17] =	ssyncadd.s32 $0xFFFFF060  }
0x7a: {  	_ =	swait.ge [sflag:s17], $0xFA0  }
0x7b: {  	[sflag:s17] =	ssyncset.done $0x0  }
0x7c: {  	[sflag:s17] =	ssyncadd.s32 $0xFFFFF060  }
0x7d: {  	_ =	swait.ge [sflag:s17], $0xFA0  }
0x7e: {  	[sflag:s17] =	ssyncset.done $0x0  }
0x7f: {  	[sflag:s17] =	ssyncadd.s32 $0xFFFFF060  }
0x80: {  	_ =	swait.ge [sflag:s17], $0xFA0  }
0x81: {  	[sflag:s17] =	ssyncset.done $0x0  }
0x82: {  	[sflag:s17] =	ssyncadd.s32 $0xFFFFF060  }
0x83: {  	_ =	swait.ge [sflag:s17], $0xFA0  }
0x84: {  	[sflag:s17] =	ssyncset.done $0x0  }
0x85: {  	[sflag:s17] =	ssyncadd.s32 $0xFFFFF060  }
0x86: {  	_ =	swait.ge [sflag:s17], $0xFA0  }
0x87: {  	[sflag:s17] =	ssyncset.done $0x0  }
0x88: {  	[sflag:s17] =	ssyncadd.s32 $0xFFFFF060  }
0x89: {  	_ =	swait.ge [sflag:s17], $0xFA0  }
0x8a: {  	[sflag:s17] =	ssyncset.done $0x0  }
0x8b: {  	[sflag:s17] =	ssyncadd.s32 $0xFFFFF060  }
0x8c: {  	s18 =	sadd.s32 $0x1, s18;
	_ =	swait.ge [sflag:s17], $0xFA0  }
0x8d: {  	p0 =	sne.s32 s18, s5;
	[sflag:s17] =	ssyncset.done $0x0  }
.Ltmp1:
0x8e: {  	[sflag:s17] =	ssyncadd.s32 $0xFFFFF060;
	(pc) =	sbr.rel @p0 .LBB2_1-.Ltmp1, $4  }
0x8f: {  	[hbm4b:s19+s2] =	stream.linear.scatter [tilespmem:s9], [sflag:$0x2], $0x7D00, $0x38;
	[tilespmem:$0x9100] =	vst v63  }
0x90: {  	_ =	swait.ge [sflag:s7], $0x7D00  }
0x91: {  	[sflag:s7] =	ssyncset.done $0x0  }
0x92: {  	[sflag:s7] =	ssyncadd.s32 $0xFFFF8300  }
0x93: {  	_ =	sfence.sel $0x180000  }
0x94: {  	[bflag:$0x0] =	sbarrier.arrive $0xFFFF  }
0x95: {  	p0 =	sne.s32 s0, $0x0;
	_ =	strace $0x9000004A  }
0x96: {  	s0 =	sadd.s32 @!p0 $0x100000, s1;
	[bflag:$0x2] =	sbarrier.arrive $0xFFFF  }
0x97: {  	[sflag:s0] =	ssyncadd.tile.s32 @!p0 $0x1;
	_ =	shalt  }
.Lfunc_end2:
_tile_overlayer_lowered:
.L_overlay_start_2:
0x98: {  	(tag) =	ssettag $0x2  }
0x99: {  	s0 =	rddreg [dreg:$0x0];
	s2 =	stileid.u32  }
0x9a: {  	s1 =	rddreg [dreg:$0x1];
	p0 =	sne.s32 s2, $0x0  }
0x9b: {  	s3 =	rddreg [dreg:$0x2];
	[bflag:$0x3] =	sbarrier.arrive $0xFFFF;
	s2 =	simm.s32 @!p0 $0x1C02  }
0x9c: {  	[timem:s3], [sflag:s2] =	dma.local @!p0 [hbm:s0], s1  }
0x9d: {  	s0 =	simm.s32 @!p0 $0x2  }
0x9e: {  	_ =	swait.ge @!p0 [sflag:s0], s1  }
0x9f: {  	s1 =	ssub.s32 @!p0 $0x0, s1;
	[sflag:s0] =	ssyncset.done @!p0 $0x0  }
0xa0: {  	[sflag:s0] =	ssyncadd.s32 @!p0 s1  }
0xa1: {  	[bflag:$0x3] =	sbarrier.arrive $0xFFFF  }
0xa2: {  	_ =	shalt  }

// kernel: kernel.9.cloned.1.call-start
scs
__scs_entry_jumppad:
0x0: {  	(pc) =	sbr.rel $0x88, $3  }
0x1: {  	(tag) =	ssettag $0x0;
	lr =	simm.s32 $0x1  }
0x2: {  	[smem:$0x3F96] =	sst lr;
	_ =	strace $0xD0000000  }
0x3: {  	_ = 	snop  }
0x4: {  	_ = 	snop  }
0x5: {  	_ = 	snop  }
0x6: {  	_ = 	snop  }
0x7: {  	_ = 	snop  }
__scs_overlays_trampoline_lowered:
0x8: {  	[smem:$0x3FA5] =	sst s0  }
0x9: {  	[smem:$0x3FA6] =	sst s1  }
0xa: {  	[smem:$0x3FA7] =	sst s2  }
0xb: {  	[smem:$0x3FA8] =	sst s3  }
0xc: {  	[smem:$0x3FA9] =	sst s4  }
0xd: {  	[smem:$0x3FAA] =	sst s5  }
0xe: {  	[smem:$0x3FAB] =	sst s6  }
0xf: {  	[smem:$0x3FAC] =	sst s7  }
0x10: {  	[smem:$0x3FAD] =	sst s8  }
0x11: {  	[smem:$0x3FAE] =	sst s9;
	s0 =	simm.s32 @!p0 $0x0  }
0x12: {  	s1 =	sld [smem:$0x3F94];
	s0 =	simm.s32 @p0 $0x1  }
0x13: {  	[smem:$0x3FAF] =	sst s0;
	s0 =	simm.s32 @!p1 $0x0  }
0x14: {  	s2 =	sld [smem:$0x3F93];
	s0 =	simm.s32 @p1 $0x1  }
0x15: {  	[smem:$0x3FB0] =	sst s0;
	s0 =	simm.s32 @!p2 $0x0  }
0x16: {  	s3 =	sld [smem:$0x3FDB];
	s0 =	simm.s32 @p2 $0x1  }
0x17: {  	s4 =	simm.s32 $0x1BF5;
	[smem:$0x3FB2] =	sst s0  }
0x18: {  	s0 =	sld [smem:$0x3F95];
	_ =	swait.ge [sflag:s4], $0x0  }
0x19: {  	s7 =	sld [smem:$0x3F96]  }
0x1a: {  	s8 =	sadd.s32 $0xFFFFE003, lr  }
0x1b: {  	s9 =	sadd.s32 $0xFFFFFEF7, lr;
	s5 =	simm.s32 $0xFFFFFFFF;
	p2 =	slt.u32 s8, $0xFFFFF086  }
0x1c: {  	p1 =	slt.u32 s9, $0xF7A;
	s5 =	simm.s32 @!p2 $0x0  }
0x1d: {  	s5 =	simm.s32 @p1 $0x1;
	p0 =	seq.s32 s7, s2  }
0x1e: {  	s7 =	smul.u32 @!p0 $0xF7A, s2;
	p2 =	seq.s32 @!p0 s5, $0x0  }
0x1f: {  	s9 =	smul.u32 $0xF7A, s1;
	s8 =	simm.s32 @!p0 $0x1BF5;
	p2 =	por !p2, p0  }
0x20: {  	[sflag:s8] =	ssyncset.s32 @!p0 $0xFFFFF086;
	s6 =	sadd.s32 @!p0 s3, s7;
	s7 =	simm.s32 @!p0 $0x108  }
0x21: {  	s3 =	sadd.s32 s3, s9;
	s6 =	sadd.s32 @!p0 $0x88, s6;
	s7 =	simm.s32 @p2 $0x1082  }
0x22: {  	[simem:s7], [sflag:s8] =	dma.local @!p0 [hbm:s6], $0xF7A  }
0x23: {  	s9 =	sor.u32 $0xD0000000, s2;
	s6 =	simm.s32 $0x108;
	_ =	swait.ge @!p0 [sflag:s8], $0x0  }
0x24: {  	s3 =	sadd.s32 $0x88, s3;
	s6 =	simm.s32 @!p1 $0x1082;
	[sflag:s4] =	ssyncset.s32 $0xFFFFF086  }
0x25: {  	[simem:s6], [sflag:s4] =	dma.local [hbm:s3], $0xF7A  }
0x26: {  	[smem:$0x3F96] =	sst s1;
	(tag) =	ssettag s2;
	_ =	strace s9  }
0x27: {  	s1 =	sld [smem:$0x3FA6]  }
0x28: {  	s2 =	sld [smem:$0x3FA7]  }
0x29: {  	s4 =	sld [smem:$0x3FA9]  }
0x2a: {  	p0 =	seq.s32 s5, $0x0;
	s5 =	sld [smem:$0x3FAA]  }
0x2b: {  	s6 =	sld [smem:$0x3FAB]  }
0x2c: {  	s7 =	sld [smem:$0x3FAC]  }
0x2d: {  	s3 =	simm.s32 $0x108;
	s8 =	sld [smem:$0x3FAD]  }
0x2e: {  	s3 =	simm.s32 @!p0 $0x1082;
	s9 =	sld [smem:$0x3FAE]  }
0x2f: {  	lr =	sadd.s32 s0, s3;
	s0 =	sld [smem:$0x3FA5]  }
0x30: {  	s3 =	sld [smem:$0x3FA8]  }
0x31: {  	[smem:$0x3FB1] =	sst s10  }
0x32: {  	s10 =	sld [smem:$0x3FAF];
	_ =	sdelay $0x3  }
0x33: {  	p0 =	seq.s32 s10, $0x1;
	s10 =	sld [smem:$0x3FB1];
	_ =	sdelay $0x3  }
0x34: {  	[smem:$0x3FB1] =	sst s10  }
0x35: {  	s10 =	sld [smem:$0x3FB0];
	_ =	sdelay $0x3  }
0x36: {  	p1 =	seq.s32 s10, $0x1;
	s10 =	sld [smem:$0x3FB1];
	_ =	sdelay $0x3  }
0x37: {  	[smem:$0x3FB1] =	sst s10  }
0x38: {  	s10 =	sld [smem:$0x3FB2]  }
0x39: {  	_ = 	snop;
	(pc) =	sbr.ind lr, $3  }
0x3a: {  	_ = 	snop  }
0x3b: {  	_ = 	snop  }
0x3c: {  	p2 =	seq.s32 s10, $0x1;
	s10 =	sld [smem:$0x3FB1]  }
0x3d: {  	_ =	shalt  }
0x3e: {  	_ =	shalt  }
0x3f: {  	_ =	shalt  }
0x40: {  	_ =	shalt  }
0x41: {  	_ =	shalt  }
0x42: {  	_ =	shalt  }
0x43: {  	_ =	shalt  }
0x44: {  	_ =	shalt  }
0x45: {  	_ =	shalt  }
0x46: {  	_ =	shalt  }
0x47: {  	_ =	shalt  }
0x48: {  	_ =	shalt  }
0x49: {  	_ =	shalt  }
0x4a: {  	_ =	shalt  }
0x4b: {  	_ =	shalt  }
0x4c: {  	_ =	shalt  }
0x4d: {  	_ =	shalt  }
0x4e: {  	_ =	shalt  }
0x4f: {  	_ =	shalt  }
0x50: {  	_ =	shalt  }
0x51: {  	_ =	shalt  }
0x52: {  	_ =	shalt  }
0x53: {  	_ =	shalt  }
0x54: {  	_ =	shalt  }
0x55: {  	_ =	shalt  }
0x56: {  	_ =	shalt  }
0x57: {  	_ =	shalt  }
0x58: {  	_ =	shalt  }
0x59: {  	_ =	shalt  }
0x5a: {  	_ =	shalt  }
0x5b: {  	_ =	shalt  }
0x5c: {  	_ =	shalt  }
0x5d: {  	_ =	shalt  }
0x5e: {  	_ =	shalt  }
0x5f: {  	_ =	shalt  }
0x60: {  	_ =	shalt  }
0x61: {  	_ =	shalt  }
0x62: {  	_ =	shalt  }
0x63: {  	_ =	shalt  }
0x64: {  	_ =	shalt  }
0x65: {  	_ =	shalt  }
0x66: {  	_ =	shalt  }
0x67: {  	_ =	shalt  }
0x68: {  	_ =	shalt  }
0x69: {  	_ =	shalt  }
0x6a: {  	_ =	shalt  }
0x6b: {  	_ =	shalt  }
0x6c: {  	_ =	shalt  }
0x6d: {  	_ =	shalt  }
0x6e: {  	_ =	shalt  }
0x6f: {  	_ =	shalt  }
0x70: {  	_ =	shalt  }
0x71: {  	_ =	shalt  }
0x72: {  	_ =	shalt  }
0x73: {  	_ =	shalt  }
0x74: {  	_ =	shalt  }
0x75: {  	_ =	shalt  }
0x76: {  	_ =	shalt  }
0x77: {  	_ =	shalt  }
0x78: {  	_ =	shalt  }
0x79: {  	_ =	shalt  }
0x7a: {  	_ =	shalt  }
0x7b: {  	_ =	shalt  }
0x7c: {  	_ =	shalt  }
0x7d: {  	_ =	shalt  }
0x7e: {  	_ =	shalt  }
0x7f: {  	_ =	shalt  }
0x80: {  	_ =	shalt  }
0x81: {  	_ =	shalt  }
0x82: {  	_ =	shalt  }
0x83: {  	_ =	shalt  }
0x84: {  	_ =	shalt  }
0x85: {  	_ =	shalt  }
0x86: {  	_ =	shalt  }
0x87: {  	_ =	shalt  }
.Lfunc_end0:
.L_simem_size_0:
called_computation.2_lowered:
.L_overlay_start_0:
0x88: {  	s2 =	sld [smem:$0x3FD9]  }
0x89: {  	s3 =	sld [smem:$0x3FFE];
	_ =	sdelay $0x1  }
0x8a: {  	s1 =	srdreg.scid  }
0x8b: {  	s0 =	sand.u32 $0x1, s1  }
0x8c: {  	s16 =	sshll.u32 s0, $0xA;
	s2 =	sadd.s32 s3, s2  }
0x8d: {  	s2 =	sadd.s32 s2, s16  }
0x8e: {  	[smem:$0x3FBD] =	sst s2  }
0x8f: {  	_ = 	snop  }
0x90: {  	(tm) =	ssettm $0x1  }
0x91: {  	s17 =	sld [smem:$0x3FFB];
	_ =	sdelay $0x3  }
0x92: {  	_ =	strace s17  }
0x93: {  	s2 =	sld [smem:$0x3FFC];
	_ =	sdelay $0x3  }
0x94: {  	_ =	strace s2  }
0x95: {  	s2 =	sld [smem:$0x3FFD];
	_ =	sdelay $0x3  }
0x96: {  	_ =	strace s2  }
0x97: {  	_ =	strace $0x8FFFFFFF  }
0x98: {  	s18 =	sld [smem:$0x3FDB];
	_ =	sdelay $0x1  }
0x99: {  	s19 =	simm.s32 $_scs_section_size  }
0x9a: {  	s4 =	simm.s32 $_size__tile_overlayer_lowered;
	s5 =	simm.s32 $_tile_overlayer_lowered  }
0x9b: {  	s22 =	simm.s32 $0x1BFF;
	s21 =	sshll.u32 s5, $0x1;
	s2 =	sadd.s32 s19, s18  }
0x9c: {  	s6 =	simm.s32 $0x0;
	s20 =	sshll.u32 s4, $0x1;
	s4 =	sadd.s32 s21, s2  }
0x9d: {  	[timem:s6], [sflag:s22] =	dma.local [hbm:s4], s20  }
0x9e: {  	_ =	swait.ge [sflag:s22], s20  }
0x9f: {  	s3 =	ssub.s32 $0x0, s20;
	[sflag:s22] =	ssyncset.done $0x0  }
0xa0: {  	[sflag:s22] =	ssyncadd.s32 s3;
	_ =	sdelay $0x1  }
0xa1: {  	s23 =	simm.s32 $0x1B8B  }
0xa2: {  	_ =	swait.ge [sflag:s23], $0x1  }
0xa3: {  	[sflag:s23] =	ssyncset.done $0x0  }
0xa4: {  	s25 =	simm.s32 $0x1B8E;
	s24 =	sld [smem:$0x3FFE];
	[sflag:s23] =	ssyncadd.s32 $0xFFFFFFFF  }
0xa5: {  	s26 =	simm.s32 $execute0_lowered;
	[smem:$0x3FD2] =	sst s25  }
0xa6: {  	s4 =	sshll.u32 s26, $0x1;
	_ =	strace $0x8000004C;
	[dreg:$0x1] =	wrdreg $0xFFFFFFFF  }
0xa7: {  	s28 =	simm.s32 $_size_execute0_lowered;
	s2 =	sadd.s32 s2, s4;
	[dreg:$0x0] =	wrdreg $0x0  }
0xa8: {  	s4 =	sshll.u32 s28, $0x1;
	[dreg:$0x2] =	wrdreg s2  }
0xa9: {  	[dreg:$0x3] =	wrdreg s4  }
0xaa: {  	[dreg:$0x4] =	wrdreg $0xC0  }
0xab: {  	_ =	task [dreg:s6], $0x5FFFF  }
0xac: {  	[dreg:$0x1] =	wrdreg $0xFFFFFFFF  }
0xad: {  	[dreg:$0x0] =	wrdreg $0x60  }
0xae: {  	[dreg:$0x2] =	wrdreg s24  }
0xaf: {  	[dreg:$0x3] =	wrdreg $0x0  }
0xb0: {  	[dreg:$0x4] =	wrdreg $0x9  }
0xb1: {  	_ =	task.clear_ibuf [dreg:s6], $0x5FFFF;
	_ =	strace $0x9000004C  }
0xb2: {  	s29 =	simm.s32 $0x9;
	_ =	strace $0x8000004E  }
0xb3: {  	_ =	swait.ge [sflag:s29], $0x1  }
0xb4: {  	[sflag:s29] =	ssyncadd.s32 $0xFFFFFFFF  }
0xb5: {  	_ =	strace $0x9000004E  }
0xb6: {  	_ =	sfence  }
0xb7: {  	s30 =	sld [smem:$0x0];
	_ =	sdelay $0x2  }
0xb8: {  	s31 =	sshll.u32 s1, $0xD;
	s1 =	sshrl.u32 s1, $0x2  }
0xb9: {  	s3 =	sand.u32 $0x4000, s31;
	s1 =	sadd.s32 s1, s30  }
0xba: {  	s0 =	sor.u32 s3, s0;
	s1 =	sshll.u32 s1, $0x11  }
0xbb: {  	s0 =	sor.u32 s1, s0  }
0xbc: {  	s0 =	sadd.s32 $0x8F2B, s0  }
0xbd: {  	[sflag:s0] =	ssyncadd.remote.s32 $0x1  }
0xbe: {  	_ =	sfence.sel $0xFFFF  }
0xbf: {  	[dreg:$0x0] =	wrdreg $0xFFFFFFFF;
	(pc) =	sbr.abs _section_cstart, $3  }
0xc0: {  	[dreg:$0x1] =	wrdreg $0xFFFFFFFF  }
0xc1: {  	_ =	task.clear_ibuf [dreg:s6], $0x2FFFF;
	_ =	strace $0x9FFFFFFF  }
0xc2: {  	(tm) =	ssettm $0x7FFFFFFF  }
0xc3: {  	_ =	shalt  }
tec
execute0_lowered:
.L_overlay_start_1:
0x0: {  	(tag) =	ssettag $0x1  }
0x1: {  	s1 =	srdreg.scid  }
0x2: {  	s0 =	stileid.u32;
	s4 =	rddreg [dreg:$0x0]  }
0x3: {  	s2 =	rddreg [dreg:$0x1];
	s3 =	simm.s32 $0x0;
	s11 =	simm.s32 $0x2710  }
0x4: {  	s12 =	simm.s32 $0x7D;
	s5 =	sand.u32 $0x1, s1;
	s1 =	rddreg [dreg:$0x2]  }
0x5: {  	s31 =	sshll.u32 s0, $0x1;
	[smem:$0x7FF] =	sst s3;
	s10 =	smul.u32 $0x2700, s0  }
0x6: {  	p0 =	sne.s32 s0, $0xF;
	s6 =	sor.u32 s5, s31;
	s8 =	smul.u32 $0x4E20, s5  }
0x7: {  	s14 =	sshll.u32 s0, $0x6;
	_ =	strace $0x8000004D;
	s7 =	smul.u32 $0x2710, s6  }
0x8: {  	s5 =	ssub.s32 $0x2, s5;
	s14 =	sor.u32 $0x1C01, s14;
	s6 =	smul.u32 $0x280, s6  }
0x9: {  	s9 =	sshrl.u32 s5, $0x1;
	s13 =	sshrl.u32 s10, $0x3;
	s8 =	sadd.s32 s8, s4  }
0xa: {  	s9 =	ssub.s32 s5, s9;
	s5 =	sadd.s32 $0x27000, s2;
	s7 =	sadd.s32 s7, s4  }
0xb: {  	s6 =	sadd.s32 s6, s4;
	s4 =	sadd.s32 s10, s2;
	s16 =	sadd.s32 $0x50C00, s8  }
0xc: {  	s8 =	smax.u32 s9, $0x1;
	s9 =	simm.s32 $0x17390;
	s10 =	simm.s32 $0x1  }
0xd: {  	s17 =	sshrl.u32 @!p0 s5, $0x3;
	s6 =	sadd.s32 $0xB2C00, s6;
	s7 =	sadd.s32 $0x2A00, s7  }
0xe: {  	v0 =	vimm.f32 $0.0e+00;
	s13 =	sadd.s32 s13, s16;
	s15 =	sshrl.u32 s4, $0x3;
	s16 =	sadd.s32 @!p0 $0x4E00, s16  }
.LBB2_1:
0xf: {  	s18 =	simm.s32 $0x40;
	s19 =	simm.s32 $0x0  }
.LBB2_2:
0x10: {  	p1 =	sne.s32 s18, $0x9FC0;
	[tilespmem:s19+$0x17390] =	vst v0;
	s19 =	smov.u32 s18;
	s18 =	sadd.s32 $0x40, s18  }
.Ltmp0:
0x11: {  	(pc) =	sbr.rel @p1 .LBB2_2-.Ltmp0, $2  }
0x12: {  	_ =	sdelay $0x2  }
0x13: {  	s19 =	sshra.s32 s19, $0x2  }
0x14: {  	[tilespmem:s19+$0x17390] =	vst v0  }
0x15: {  	[spmem:s4] =	stream.linear.scatter [tilespmem:s9], [sflag:$0x1], $0x2700, $0x38;
	[tilespmem:$0x19B90] =	vst v63  }
0x16: {  	_ =	swait.ge [sflag:s10], $0x2700  }
0x17: {  	[sflag:s10] =	ssyncset.done $0x0  }
0x18: {  	s18 =	simm.s32 @!p0 $0x17390;
	[sflag:s10] =	ssyncadd.s32 $0xFFFFD900  }
0x19: {  	[spmem:s5] =	stream.linear.scatter @!p0 [tilespmem:s18], [sflag:$0x1], $0x100, $0x38;
	[tilespmem:$0x19B90] =	vst v63  }
0x1a: {  	s18 =	simm.s32 @!p0 $0x1  }
0x1b: {  	_ =	swait.ge @!p0 [sflag:s18], $0x100  }
0x1c: {  	[sflag:s18] =	ssyncset.done @!p0 $0x0  }
0x1d: {  	s30 =	simm.s32 $0x0;
	[sflag:s18] =	ssyncadd.s32 @!p0 $0xFFFFFF00  }
0x1e: {  	[tilespmem:s11], [sflag:$0x1] =	stream.linear.gather [hbm4b:s6+s30], $0x1400, $0x38;
	[tilespmem:$0x19B90] =	vst v63  }
0x1f: {  	_ =	swait.ge [sflag:s10], $0x1400  }
0x20: {  	[sflag:s10] =	ssyncset.done $0x0  }
0x21: {  	s18 =	simm.s32 $0x3B10;
	[sflag:s10] =	ssyncadd.s32 $0xFFFFEC00  }
0x22: {  	[tilespmem:s18], [sflag:$0x1] =	stream.linear.gather [hbm4b:s7+s30], $0x13880, $0x38;
	[tilespmem:$0x19B90] =	vst v63  }
0x23: {  	_ =	swait.ge [sflag:s10], $0x13880  }
0x24: {  	[sflag:s10] =	ssyncset.done $0x0  }
0x25: {  	[sflag:s10] =	ssyncadd.s32 $0xFFFEC780  }
0x26: {  	s31 =	simm.s32 $0x2710;
	[bflag:$0x0] =	sbarrier.arrive $0xFFFF  }
0x27: {  	[spmem:s2] =	stream.indirect.scatter.add.f32 [tilespmem:s18], [sflag:$0x1], $0x10, s31, s12, $0xb8;
	[tilespmem:$0x19B90] =	vst v63  }
0x28: {  	s19 =	simm.s32 $0x200;
	_ =	swait.ge [sflag:s10], $0x7D0  }
.LBB2_4:
0x29: {  	s20 =	sshra.s32 s19, $0x2  }
0x2a: {  	[sflag:s10] =	ssyncset.done $0x0;
	s18 =	sadd.s32 $0x7D0, s18;
	p1 =	sne.s32 s19, $0x4E00  }
.Ltmp1:
0x2b: {  	s20 =	sadd.s32 $0x2710, s20;
	[sflag:s10] =	ssyncadd.s32 $0xFFFFF830;
	(pc) =	sbr.rel @p1 .LBB2_4-.Ltmp1, $3  }
0x2c: {  	[spmem:s2] =	stream.indirect.scatter.add.f32 [tilespmem:s18], [sflag:$0x1], $0x10, s20, s12, $0xb8;
	[tilespmem:$0x19B90] =	vst v63  }
0x2d: {  	s19 =	sadd.s32 $0x200, s19;
	_ =	sdelay $0x1  }
0x2e: {  	_ =	swait.ge [sflag:s10], $0x7D0  }
0x2f: {  	[sflag:s10] =	ssyncset.done $0x0  }
0x30: {  	[sflag:s10] =	ssyncadd.s32 $0xFFFFF830  }
0x31: {  	[bflag:$0x0] =	sbarrier.arrive $0xFFFF  }
0x32: {  	[hbm:s13], [sflag:s14] =	dma.local [spmem:s15], $0x4E0  }
0x33: {  	s3 =	sadd.s32 $0x1, s3;
	_ =	swait.ge [sflag:s10], $0x4E0  }
0x34: {  	p1 =	sne.s32 s3, s8;
	[sflag:s10] =	ssyncset.done $0x0  }
.Ltmp2:
0x35: {  	s18 =	simm.s32 @!p0 $0x1;
	[sflag:s10] =	ssyncadd.s32 $0xFFFFFB20;
	(pc) =	sbr.rel @p1 .LBB2_1-.Ltmp2, $4  }
0x36: {  	[hbm:s16], [sflag:s14] =	dma.local @!p0 [spmem:s17], $0x20  }
0x37: {  	_ =	swait.ge @!p0 [sflag:s18], $0x20  }
0x38: {  	[sflag:s18] =	ssyncset.done @!p0 $0x0  }
0x39: {  	[sflag:s18] =	ssyncadd.s32 @!p0 $0xFFFFFFE0  }
0x3a: {  	_ =	sfence.sel $0x180000  }
0x3b: {  	[bflag:$0x0] =	sbarrier.arrive $0xFFFF  }
0x3c: {  	p0 =	sne.s32 s0, $0x0;
	_ =	strace $0x9000004D  }
0x3d: {  	s0 =	sadd.s32 @!p0 $0x100000, s1;
	[bflag:$0x2] =	sbarrier.arrive $0xFFFF  }
0x3e: {  	[sflag:s0] =	ssyncadd.tile.s32 @!p0 $0x1;
	_ =	shalt  }
.Lfunc_end2:
_tile_overlayer_lowered:
.L_overlay_start_2:
0x3f: {  	(tag) =	ssettag $0x2  }
0x40: {  	s0 =	rddreg [dreg:$0x0];
	s2 =	stileid.u32  }
0x41: {  	s1 =	rddreg [dreg:$0x1];
	p0 =	sne.s32 s2, $0x0  }
0x42: {  	s3 =	rddreg [dreg:$0x2];
	[bflag:$0x3] =	sbarrier.arrive $0xFFFF;
	s2 =	simm.s32 @!p0 $0x1C01  }
0x43: {  	[timem:s3], [sflag:s2] =	dma.local @!p0 [hbm:s0], s1  }
0x44: {  	s0 =	simm.s32 @!p0 $0x1  }
0x45: {  	_ =	swait.ge @!p0 [sflag:s0], s1  }
0x46: {  	s1 =	ssub.s32 @!p0 $0x0, s1;
	[sflag:s0] =	ssyncset.done @!p0 $0x0  }
0x47: {  	[sflag:s0] =	ssyncadd.s32 @!p0 s1  }
0x48: {  	[bflag:$0x3] =	sbarrier.arrive $0xFFFF  }
0x49: {  	_ =	shalt  }

</sc_bundles>
